<compile_context>
chip_gen: v7x
topology: tpu7x:2x2x1
jax: 0.10.2.dev20260603
libtpu: 0.0.44.dev20260713+nightly
codegen_flags: <defaults>
</compile_context>

<pallas_src>
import functools

import jax
import jax.numpy as jnp
from jax import lax
from jax.experimental import pallas as pl
from jax.experimental.pallas import tpu as pltpu
from jax.experimental.pallas import tpu_sc as plsc

_B, _C, _H, _W = 8, 1, 512, 512
_N = _B * _C * _H * _W
_NC, _NS = 2, 16
_NW = _NC * _NS
_ROWS_PER_W = _H // 4
_CHUNK_ROWS = 16


def _xent_vec(o, l):
    t = jnp.exp(-jnp.abs(o))
    u = t / (2.0 + t)
    s = u * u
    softplus = u * (2.0 + s * (2.0 / 3.0 + s * (2.0 / 5.0 + s * (2.0 / 7.0 + s * (2.0 / 9.0)))))
    return jnp.maximum(o, 0.0) - jnp.where(l >= 0.5, o, 0.0) + softplus


def _sc_body(o_hbm, l_hbm, out_hbm, o_buf, l_buf, acc_buf):
    wid = lax.axis_index("s") * _NC + lax.axis_index("c")
    b = wid // 4
    r0 = (wid % 4) * _ROWS_PER_W

    acc = jnp.zeros((16,), jnp.float32)
    for c in range(_ROWS_PER_W // _CHUNK_ROWS):
        r = r0 + c * _CHUNK_ROWS
        pltpu.sync_copy(o_hbm.at[b, 0, pl.ds(r, _CHUNK_ROWS), :], o_buf)
        pltpu.sync_copy(l_hbm.at[b, 0, pl.ds(r, _CHUNK_ROWS), :], l_buf)

        def row_body(i, acc):
            def col_body(j, acc):
                o = o_buf[i, pl.ds(j * 16, 16)]
                l = l_buf[i, pl.ds(j * 16, 16)]
                return acc + _xent_vec(o, l)

            return lax.fori_loop(0, _W // 16, col_body, acc)

        acc = lax.fori_loop(0, _CHUNK_ROWS, row_body, acc)

    acc_buf[...] = acc
    pltpu.sync_copy(acc_buf, out_hbm.at[wid])


@functools.partial(jax.jit, static_argnames=())
def _sc_partials(output, label):
    mesh = plsc.VectorSubcoreMesh(core_axis_name="c", subcore_axis_name="s")
    return pl.kernel(
        _sc_body,
        mesh=mesh,
        out_type=jax.ShapeDtypeStruct((_NW, 16), jnp.float32),
        scratch_types=[
            pltpu.VMEM((_CHUNK_ROWS, _W), jnp.float32),
            pltpu.VMEM((_CHUNK_ROWS, _W), jnp.float32),
            pltpu.VMEM((16,), jnp.float32),
        ],
    )(output, label)


def kernel(output, label):
    partials = _sc_partials(output, label)
    return jnp.sum(partials) * jnp.float32(1.0 / _N)

# --- scband reference (transcript-rebuilt; emitter-appended) ---
"""Pipeline reference for scband-bootstrapped-cross-entropy-loss-64287070486991 (READ-ONLY COPY).

The authoritative reference and input builder live on the scoring server;
editing this copy changes nothing except your own understanding.
"""

import jax, jax.numpy as jnp
import numpy as np

B, C, H, W = 8, 1, 512, 512
RATIO = 1.0 / 16

def setup_inputs(seed: int = 0) -> dict:
    key = jax.random.key(seed)
    k1, k2 = jax.random.split(key)
    output = jax.random.normal(k1, (B, C, H, W), dtype=jnp.float32)
    label = jax.random.uniform(k2, (B, C, H, W), dtype=jnp.float32)
    return {"output": output, "label": label}

def reference(output, label):
    # Faithful translation of bootstrapped_cross_entopy_loss with void_pixels=None.
    labels = (label >= 0.5).astype(jnp.float32)
    output_gt_zero = (output >= 0).astype(jnp.float32)
    loss_val = output * (labels - output_gt_zero) - jnp.log(
        1.0 + jnp.exp(output - 2.0 * output * output_gt_zero)
    )
    xentropy = -loss_val
    K = int(label.shape[2] * label.shape[3] * RATIO)  # 16384 (>= 2)
    batch_size = label.shape[0]
    result = 0.0
    for i in range(batch_size):
        batch_errors = xentropy[i, :]
        flat_errors = jnp.reshape(batch_errors, (-1,))
        # NOTE: the original torch code does `torch.sort(flat)[-K:]` which slices
        # the (values, indices) TUPLE, not the values tensor. For K >= 2 this
        # returns the whole tuple, so `worst_errors` is ALL sorted values and the
        # mean is over every pixel. We faithfully replicate that executed math.
        sorted_vals = jnp.sort(flat_errors)
        worst_errors = sorted_vals
        result = result + jnp.mean(worst_errors)
    result = result / batch_size
    return result

if __name__ == "__main__":
    import jax
    _d = setup_inputs()
    print(jax.jit(kernel)(*tuple(_d.values())))

</pallas_src>

<mosaic_0001>
#map = affine_map<(d0, d1) -> (0, 0, 0, 0)>
#map1 = affine_map<(d0, d1) -> (0, 0)>
module attributes {stable_mosaic.version = 14 : i64} {
  func.func @_sc_body(%arg0: i32, %arg1: i32, %arg2: memref<8x1x512x512xf32, #tpu.memory_space<hbm>>, %arg3: memref<8x1x512x512xf32, #tpu.memory_space<hbm>>, %arg4: memref<32x16xf32, #tpu.memory_space<hbm>>, %arg5: memref<16x512xf32, #tpu.memory_space<vmem>>, %arg6: memref<16x512xf32, #tpu.memory_space<vmem>>, %arg7: memref<16xf32, #tpu.memory_space<vmem>>) attributes {dimension_semantics = [#tpu.dimension_semantics<core_parallel>, #tpu.dimension_semantics<subcore_parallel>], iteration_bounds = array<i64: 2, 16>, scalar_prefetch = 0 : i64, scratch_operands = 3 : i64, tpu.core_type = #tpu.core_type<sc_vector_subcore>, window_params = [{transform_indices = #map}, {transform_indices = #map}, {transform_indices = #map1}]} {
    %mul3A = arith.constant 2 : i32
    %mul3A_0 = arith.muli %arg1, %mul3A : i32
    %add3A = arith.addi %mul3A_0, %arg0 : i32
    %jit3A = arith.constant 4 : i32
    %div3A = arith.divsi %add3A, %jit3A : i32
    %sign3A = arith.constant 0 : i32
    %sign3A_1 = arith.cmpi sgt, %add3A, %sign3A : i32
    %sign3A_2 = arith.extui %sign3A_1 : i1 to i32
    %sign3A_3 = arith.constant 0 : i32
    %sign3A_4 = arith.cmpi slt, %add3A, %sign3A_3 : i32
    %sign3A_5 = arith.extui %sign3A_4 : i1 to i32
    %sign3A_6 = arith.subi %sign3A_2, %sign3A_5 : i32
    %sign3A_7 = arith.constant 0 : i32
    %sign3A_8 = arith.cmpi sgt, %jit3A, %sign3A_7 : i32
    %sign3A_9 = arith.extui %sign3A_8 : i1 to i32
    %sign3A_10 = arith.constant 0 : i32
    %sign3A_11 = arith.cmpi slt, %jit3A, %sign3A_10 : i32
    %sign3A_12 = arith.extui %sign3A_11 : i1 to i32
    %sign3A_13 = arith.subi %sign3A_9, %sign3A_12 : i32
    %ne3A = arith.cmpi ne, %sign3A_6, %sign3A_13 : i32
    %rem3A = arith.remsi %add3A, %jit3A : i32
    %ne3A_14 = arith.constant 0 : i32
    %ne3A_15 = arith.cmpi ne, %rem3A, %ne3A_14 : i32
    %and3A = arith.andi %ne3A, %ne3A_15 : i1
    %sub3A = arith.constant 1 : i32
    %sub3A_16 = arith.subi %div3A, %sub3A : i32
    %select_n3A = arith.select %and3A, %sub3A_16, %div3A : i32
    %jit3A_17 = arith.constant 4 : i32
    %eq3A = arith.constant 0 : i32
    %eq3A_18 = arith.cmpi eq, %jit3A_17, %eq3A : i32
    %jit3A_19 = arith.constant 1 : i32
    %select_n3A_20 = arith.select %eq3A_18, %jit3A_19, %jit3A_17 : i32
    %rem3A_21 = arith.remsi %add3A, %select_n3A_20 : i32
    %ne3A_22 = arith.constant 0 : i32
    %ne3A_23 = arith.cmpi ne, %rem3A_21, %ne3A_22 : i32
    %lt3A = arith.constant 0 : i32
    %lt3A_24 = arith.cmpi slt, %rem3A_21, %lt3A : i32
    %lt3A_25 = arith.constant 0 : i32
    %lt3A_26 = arith.cmpi slt, %select_n3A_20, %lt3A_25 : i32
    %ne3A_27 = arith.xori %lt3A_24, %lt3A_26 : i1
    %and3A_28 = arith.andi %ne3A_27, %ne3A_23 : i1
    %add3A_29 = arith.addi %rem3A_21, %select_n3A_20 : i32
    %select_n3A_30 = arith.select %and3A_28, %add3A_29, %rem3A_21 : i32
    %mul3A_31 = arith.constant 128 : i32
    %mul3A_32 = arith.muli %select_n3A_30, %mul3A_31 : i32
    %broadcast_in_dim3A = arith.constant 0.000000e+00 : f32
    %broadcast_in_dim3A_33 = vector.broadcast %broadcast_in_dim3A : f32 to vector<16xf32>
    %add3A_34 = arith.constant 0 : i32
    %add3A_35 = arith.addi %mul3A_32, %add3A_34 : i32
    %run_scoped3A = arith.constant 0 : i32
    "tpu.region"() ({
      %run_scoped3A_115 = tpu.sem_alloc : memref<!tpu.dma_semaphore, #tpu.memory_space<semaphore_mem>>
      %dma_start3A = arith.constant 0 : i32
      %dma_start3A_116 = tpu.memref_slice %arg2[%select_n3A, %run_scoped3A, %add3A_35, %dma_start3A] : memref<8x1x512x512xf32, #tpu.memory_space<hbm>> -> memref<1x1x16x512xf32, #tpu.memory_space<hbm>>
      %dma_start3A_117 = tpu.memref_squeeze %dma_start3A_116 : memref<1x1x16x512xf32, #tpu.memory_space<hbm>> -> memref<16x512xf32, #tpu.memory_space<hbm>>
      %dma_start3A_118 = arith.constant 0 : i32
      %dma_start3A_119 = tpu.memref_slice %arg2[%select_n3A, %run_scoped3A, %add3A_35, %dma_start3A_118] : memref<8x1x512x512xf32, #tpu.memory_space<hbm>> -> memref<1x1x16x512xf32, #tpu.memory_space<hbm>>
      %dma_start3A_120 = tpu.memref_squeeze %dma_start3A_119 : memref<1x1x16x512xf32, #tpu.memory_space<hbm>> -> memref<16x512xf32, #tpu.memory_space<hbm>>
      tpu.enqueue_dma source(%dma_start3A_120 : memref<16x512xf32, #tpu.memory_space<hbm>>) target(%arg5 : memref<16x512xf32, #tpu.memory_space<vmem>>) target_semaphore(%run_scoped3A_115 : memref<!tpu.dma_semaphore, #tpu.memory_space<semaphore_mem>>)
      %dma_wait3A = arith.constant 0 : i32
      %dma_wait3A_121 = tpu.memref_slice %arg2[%select_n3A, %run_scoped3A, %add3A_35, %dma_wait3A] : memref<8x1x512x512xf32, #tpu.memory_space<hbm>> -> memref<1x1x16x512xf32, #tpu.memory_space<hbm>>
      %dma_wait3A_122 = tpu.memref_squeeze %dma_wait3A_121 : memref<1x1x16x512xf32, #tpu.memory_space<hbm>> -> memref<16x512xf32, #tpu.memory_space<hbm>>
      %dma_wait3A_123 = arith.constant 0 : i32
      %dma_wait3A_124 = tpu.memref_slice %arg2[%select_n3A, %run_scoped3A, %add3A_35, %dma_wait3A_123] : memref<8x1x512x512xf32, #tpu.memory_space<hbm>> -> memref<1x1x16x512xf32, #tpu.memory_space<hbm>>
      %dma_wait3A_125 = tpu.memref_squeeze %dma_wait3A_124 : memref<1x1x16x512xf32, #tpu.memory_space<hbm>> -> memref<16x512xf32, #tpu.memory_space<hbm>>
      tpu.wait_dma2 semaphore(%run_scoped3A_115 : memref<!tpu.dma_semaphore, #tpu.memory_space<semaphore_mem>>) src(%dma_wait3A_125 : memref<16x512xf32, #tpu.memory_space<hbm>>) dst(%arg5 : memref<16x512xf32, #tpu.memory_space<vmem>>)
      tpu.yield
    }) : () -> ()
    %run_scoped3A_36 = arith.constant 0 : i32
    "tpu.region"() ({
      %run_scoped3A_115 = tpu.sem_alloc : memref<!tpu.dma_semaphore, #tpu.memory_space<semaphore_mem>>
      %dma_start3A = arith.constant 0 : i32
      %dma_start3A_116 = tpu.memref_slice %arg3[%select_n3A, %run_scoped3A_36, %add3A_35, %dma_start3A] : memref<8x1x512x512xf32, #tpu.memory_space<hbm>> -> memref<1x1x16x512xf32, #tpu.memory_space<hbm>>
      %dma_start3A_117 = tpu.memref_squeeze %dma_start3A_116 : memref<1x1x16x512xf32, #tpu.memory_space<hbm>> -> memref<16x512xf32, #tpu.memory_space<hbm>>
      %dma_start3A_118 = arith.constant 0 : i32
      %dma_start3A_119 = tpu.memref_slice %arg3[%select_n3A, %run_scoped3A_36, %add3A_35, %dma_start3A_118] : memref<8x1x512x512xf32, #tpu.memory_space<hbm>> -> memref<1x1x16x512xf32, #tpu.memory_space<hbm>>
      %dma_start3A_120 = tpu.memref_squeeze %dma_start3A_119 : memref<1x1x16x512xf32, #tpu.memory_space<hbm>> -> memref<16x512xf32, #tpu.memory_space<hbm>>
      tpu.enqueue_dma source(%dma_start3A_120 : memref<16x512xf32, #tpu.memory_space<hbm>>) target(%arg6 : memref<16x512xf32, #tpu.memory_space<vmem>>) target_semaphore(%run_scoped3A_115 : memref<!tpu.dma_semaphore, #tpu.memory_space<semaphore_mem>>)
      %dma_wait3A = arith.constant 0 : i32
      %dma_wait3A_121 = tpu.memref_slice %arg3[%select_n3A, %run_scoped3A_36, %add3A_35, %dma_wait3A] : memref<8x1x512x512xf32, #tpu.memory_space<hbm>> -> memref<1x1x16x512xf32, #tpu.memory_space<hbm>>
      %dma_wait3A_122 = tpu.memref_squeeze %dma_wait3A_121 : memref<1x1x16x512xf32, #tpu.memory_space<hbm>> -> memref<16x512xf32, #tpu.memory_space<hbm>>
      %dma_wait3A_123 = arith.constant 0 : i32
      %dma_wait3A_124 = tpu.memref_slice %arg3[%select_n3A, %run_scoped3A_36, %add3A_35, %dma_wait3A_123] : memref<8x1x512x512xf32, #tpu.memory_space<hbm>> -> memref<1x1x16x512xf32, #tpu.memory_space<hbm>>
      %dma_wait3A_125 = tpu.memref_squeeze %dma_wait3A_124 : memref<1x1x16x512xf32, #tpu.memory_space<hbm>> -> memref<16x512xf32, #tpu.memory_space<hbm>>
      tpu.wait_dma2 semaphore(%run_scoped3A_115 : memref<!tpu.dma_semaphore, #tpu.memory_space<semaphore_mem>>) src(%dma_wait3A_125 : memref<16x512xf32, #tpu.memory_space<hbm>>) dst(%arg6 : memref<16x512xf32, #tpu.memory_space<vmem>>)
      tpu.yield
    }) : () -> ()
    %scan3A = arith.constant 0 : i32
    %scan3A_37 = arith.constant 16 : i32
    %scan3A_38 = arith.addi %scan3A, %scan3A_37 : i32
    %scan3A_39 = arith.constant 1 : i32
    %scan3A_40 = scf.for %scan3A_115 = %scan3A to %scan3A_38 step %scan3A_39 iter_args(%scan3A_116 = %broadcast_in_dim3A_33) -> (vector<16xf32>)  : i32 {
      %scan3A_117 = arith.constant 0 : i32
      %scan3A_118 = arith.constant 32 : i32
      %scan3A_119 = arith.addi %scan3A_117, %scan3A_118 : i32
      %scan3A_120 = arith.constant 1 : i32
      %scan3A_121 = scf.for %scan3A_123 = %scan3A_117 to %scan3A_119 step %scan3A_120 iter_args(%scan3A_124 = %scan3A_116) -> (vector<16xf32>)  : i32 {
        %mul3A_125 = arith.constant 16 : i32
        %mul3A_126 = arith.muli %scan3A_123, %mul3A_125 : i32
        %get3A = arith.index_cast %scan3A_115 : i32 to index
        %get3A_127 = arith.index_cast %mul3A_126 : i32 to index
        %get3A_128 = tpu.vector_load %arg5[%get3A, %get3A_127] {strides = array<i32>} : memref<16x512xf32, #tpu.memory_space<vmem>>, vector<1x16xf32>,
        %get3A_129 = vector.shape_cast %get3A_128 : vector<1x16xf32> to vector<16xf32>
        %mul3A_130 = arith.constant 16 : i32
        %mul3A_131 = arith.muli %scan3A_123, %mul3A_130 : i32
        %get3A_132 = arith.index_cast %scan3A_115 : i32 to index
        %get3A_133 = arith.index_cast %mul3A_131 : i32 to index
        %get3A_134 = tpu.vector_load %arg6[%get3A_132, %get3A_133] {strides = array<i32>} : memref<16x512xf32, #tpu.memory_space<vmem>>, vector<1x16xf32>,
        %get3A_135 = vector.shape_cast %get3A_134 : vector<1x16xf32> to vector<16xf32>
        %abs3A = math.absf %get3A_129 : vector<16xf32>
        %neg3A = arith.constant 0.000000e+00 : f32
        %neg3A_136 = vector.broadcast %neg3A : f32 to vector<16xf32>
        %neg3A_137 = arith.subf %neg3A_136, %abs3A : vector<16xf32>
        %exp3A = math.exp %neg3A_137 : vector<16xf32>
        %add3A_138 = arith.constant 2.000000e+00 : f32
        %add3A_139 = vector.broadcast %add3A_138 : f32 to vector<16xf32>
        %add3A_140 = arith.addf %add3A_139, %exp3A : vector<16xf32>
        %div3A_141 = arith.divf %exp3A, %add3A_140 : vector<16xf32>
        %mul3A_142 = arith.mulf %div3A_141, %div3A_141 : vector<16xf32>
        %mul3A_143 = arith.constant 0.222222224 : f32
        %mul3A_144 = vector.broadcast %mul3A_143 : f32 to vector<16xf32>
        %mul3A_145 = arith.mulf %mul3A_142, %mul3A_144 : vector<16xf32>
        %add3A_146 = arith.constant 0.285714298 : f32
        %add3A_147 = vector.broadcast %add3A_146 : f32 to vector<16xf32>
        %add3A_148 = arith.addf %add3A_147, %mul3A_145 : vector<16xf32>
        %mul3A_149 = arith.mulf %mul3A_142, %add3A_148 : vector<16xf32>
        %add3A_150 = arith.constant 4.000000e-01 : f32
        %add3A_151 = vector.broadcast %add3A_150 : f32 to vector<16xf32>
        %add3A_152 = arith.addf %add3A_151, %mul3A_149 : vector<16xf32>
        %mul3A_153 = arith.mulf %mul3A_142, %add3A_152 : vector<16xf32>
        %add3A_154 = arith.constant 0.666666686 : f32
        %add3A_155 = vector.broadcast %add3A_154 : f32 to vector<16xf32>
        %add3A_156 = arith.addf %add3A_155, %mul3A_153 : vector<16xf32>
        %mul3A_157 = arith.mulf %mul3A_142, %add3A_156 : vector<16xf32>
        %add3A_158 = arith.constant 2.000000e+00 : f32
        %add3A_159 = vector.broadcast %add3A_158 : f32 to vector<16xf32>
        %add3A_160 = arith.addf %add3A_159, %mul3A_157 : vector<16xf32>
        %mul3A_161 = arith.mulf %div3A_141, %add3A_160 : vector<16xf32>
        %max3A = arith.constant 0.000000e+00 : f32
        %max3A_162 = vector.broadcast %max3A : f32 to vector<16xf32>
        %max3A_163 = arith.maximumf %get3A_129, %max3A_162 : vector<16xf32>
        %ge3A = arith.constant 5.000000e-01 : f32
        %ge3A_164 = vector.broadcast %ge3A : f32 to vector<16xf32>
        %ge3A_165 = arith.cmpf oge, %get3A_135, %ge3A_164 : vector<16xf32>
        %jit3A_166 = arith.constant 0.000000e+00 : f32
        %broadcast_in_dim3A_167 = vector.broadcast %jit3A_166 : f32 to vector<16xf32>
        %select_n3A_168 = arith.select %ge3A_165, %get3A_129, %broadcast_in_dim3A_167 : vector<16xi1>, vector<16xf32>
        %sub3A_169 = arith.subf %max3A_163, %select_n3A_168 : vector<16xf32>
        %add3A_170 = arith.addf %sub3A_169, %mul3A_161 : vector<16xf32>
        %add3A_171 = arith.addf %scan3A_124, %add3A_170 : vector<16xf32>
        scf.yield %add3A_171 : vector<16xf32>
      }
      %scan3A_122 = arith.constant 32 : i32
      scf.yield %scan3A_121 : vector<16xf32>
    }
    %scan3A_41 = arith.constant 16 : i32
    %add3A_42 = arith.constant 16 : i32
    %add3A_43 = arith.addi %mul3A_32, %add3A_42 : i32
    %run_scoped3A_44 = arith.constant 0 : i32
    "tpu.region"() ({
      %run_scoped3A_115 = tpu.sem_alloc : memref<!tpu.dma_semaphore, #tpu.memory_space<semaphore_mem>>
      %dma_start3A = arith.constant 0 : i32
      %dma_start3A_116 = tpu.memref_slice %arg2[%select_n3A, %run_scoped3A_44, %add3A_43, %dma_start3A] : memref<8x1x512x512xf32, #tpu.memory_space<hbm>> -> memref<1x1x16x512xf32, #tpu.memory_space<hbm>>
      %dma_start3A_117 = tpu.memref_squeeze %dma_start3A_116 : memref<1x1x16x512xf32, #tpu.memory_space<hbm>> -> memref<16x512xf32, #tpu.memory_space<hbm>>
      %dma_start3A_118 = arith.constant 0 : i32
      %dma_start3A_119 = tpu.memref_slice %arg2[%select_n3A, %run_scoped3A_44, %add3A_43, %dma_start3A_118] : memref<8x1x512x512xf32, #tpu.memory_space<hbm>> -> memref<1x1x16x512xf32, #tpu.memory_space<hbm>>
      %dma_start3A_120 = tpu.memref_squeeze %dma_start3A_119 : memref<1x1x16x512xf32, #tpu.memory_space<hbm>> -> memref<16x512xf32, #tpu.memory_space<hbm>>
      tpu.enqueue_dma source(%dma_start3A_120 : memref<16x512xf32, #tpu.memory_space<hbm>>) target(%arg5 : memref<16x512xf32, #tpu.memory_space<vmem>>) target_semaphore(%run_scoped3A_115 : memref<!tpu.dma_semaphore, #tpu.memory_space<semaphore_mem>>)
      %dma_wait3A = arith.constant 0 : i32
      %dma_wait3A_121 = tpu.memref_slice %arg2[%select_n3A, %run_scoped3A_44, %add3A_43, %dma_wait3A] : memref<8x1x512x512xf32, #tpu.memory_space<hbm>> -> memref<1x1x16x512xf32, #tpu.memory_space<hbm>>
      %dma_wait3A_122 = tpu.memref_squeeze %dma_wait3A_121 : memref<1x1x16x512xf32, #tpu.memory_space<hbm>> -> memref<16x512xf32, #tpu.memory_space<hbm>>
      %dma_wait3A_123 = arith.constant 0 : i32
      %dma_wait3A_124 = tpu.memref_slice %arg2[%select_n3A, %run_scoped3A_44, %add3A_43, %dma_wait3A_123] : memref<8x1x512x512xf32, #tpu.memory_space<hbm>> -> memref<1x1x16x512xf32, #tpu.memory_space<hbm>>
      %dma_wait3A_125 = tpu.memref_squeeze %dma_wait3A_124 : memref<1x1x16x512xf32, #tpu.memory_space<hbm>> -> memref<16x512xf32, #tpu.memory_space<hbm>>
      tpu.wait_dma2 semaphore(%run_scoped3A_115 : memref<!tpu.dma_semaphore, #tpu.memory_space<semaphore_mem>>) src(%dma_wait3A_125 : memref<16x512xf32, #tpu.memory_space<hbm>>) dst(%arg5 : memref<16x512xf32, #tpu.memory_space<vmem>>)
      tpu.yield
    }) : () -> ()
    %run_scoped3A_45 = arith.constant 0 : i32
    "tpu.region"() ({
      %run_scoped3A_115 = tpu.sem_alloc : memref<!tpu.dma_semaphore, #tpu.memory_space<semaphore_mem>>
      %dma_start3A = arith.constant 0 : i32
      %dma_start3A_116 = tpu.memref_slice %arg3[%select_n3A, %run_scoped3A_45, %add3A_43, %dma_start3A] : memref<8x1x512x512xf32, #tpu.memory_space<hbm>> -> memref<1x1x16x512xf32, #tpu.memory_space<hbm>>
      %dma_start3A_117 = tpu.memref_squeeze %dma_start3A_116 : memref<1x1x16x512xf32, #tpu.memory_space<hbm>> -> memref<16x512xf32, #tpu.memory_space<hbm>>
      %dma_start3A_118 = arith.constant 0 : i32
      %dma_start3A_119 = tpu.memref_slice %arg3[%select_n3A, %run_scoped3A_45, %add3A_43, %dma_start3A_118] : memref<8x1x512x512xf32, #tpu.memory_space<hbm>> -> memref<1x1x16x512xf32, #tpu.memory_space<hbm>>
      %dma_start3A_120 = tpu.memref_squeeze %dma_start3A_119 : memref<1x1x16x512xf32, #tpu.memory_space<hbm>> -> memref<16x512xf32, #tpu.memory_space<hbm>>
      tpu.enqueue_dma source(%dma_start3A_120 : memref<16x512xf32, #tpu.memory_space<hbm>>) target(%arg6 : memref<16x512xf32, #tpu.memory_space<vmem>>) target_semaphore(%run_scoped3A_115 : memref<!tpu.dma_semaphore, #tpu.memory_space<semaphore_mem>>)
      %dma_wait3A = arith.constant 0 : i32
      %dma_wait3A_121 = tpu.memref_slice %arg3[%select_n3A, %run_scoped3A_45, %add3A_43, %dma_wait3A] : memref<8x1x512x512xf32, #tpu.memory_space<hbm>> -> memref<1x1x16x512xf32, #tpu.memory_space<hbm>>
      %dma_wait3A_122 = tpu.memref_squeeze %dma_wait3A_121 : memref<1x1x16x512xf32, #tpu.memory_space<hbm>> -> memref<16x512xf32, #tpu.memory_space<hbm>>
      %dma_wait3A_123 = arith.constant 0 : i32
      %dma_wait3A_124 = tpu.memref_slice %arg3[%select_n3A, %run_scoped3A_45, %add3A_43, %dma_wait3A_123] : memref<8x1x512x512xf32, #tpu.memory_space<hbm>> -> memref<1x1x16x512xf32, #tpu.memory_space<hbm>>
      %dma_wait3A_125 = tpu.memref_squeeze %dma_wait3A_124 : memref<1x1x16x512xf32, #tpu.memory_space<hbm>> -> memref<16x512xf32, #tpu.memory_space<hbm>>
      tpu.wait_dma2 semaphore(%run_scoped3A_115 : memref<!tpu.dma_semaphore, #tpu.memory_space<semaphore_mem>>) src(%dma_wait3A_125 : memref<16x512xf32, #tpu.memory_space<hbm>>) dst(%arg6 : memref<16x512xf32, #tpu.memory_space<vmem>>)
      tpu.yield
    }) : () -> ()
    %scan3A_46 = arith.constant 0 : i32
    %scan3A_47 = arith.constant 16 : i32
    %scan3A_48 = arith.addi %scan3A_46, %scan3A_47 : i32
    %scan3A_49 = arith.constant 1 : i32
    %scan3A_50 = scf.for %scan3A_115 = %scan3A_46 to %scan3A_48 step %scan3A_49 iter_args(%scan3A_116 = %scan3A_40) -> (vector<16xf32>)  : i32 {
      %scan3A_117 = arith.constant 0 : i32
      %scan3A_118 = arith.constant 32 : i32
      %scan3A_119 = arith.addi %scan3A_117, %scan3A_118 : i32
      %scan3A_120 = arith.constant 1 : i32
      %scan3A_121 = scf.for %scan3A_123 = %scan3A_117 to %scan3A_119 step %scan3A_120 iter_args(%scan3A_124 = %scan3A_116) -> (vector<16xf32>)  : i32 {
        %mul3A_125 = arith.constant 16 : i32
        %mul3A_126 = arith.muli %scan3A_123, %mul3A_125 : i32
        %get3A = arith.index_cast %scan3A_115 : i32 to index
        %get3A_127 = arith.index_cast %mul3A_126 : i32 to index
        %get3A_128 = tpu.vector_load %arg5[%get3A, %get3A_127] {strides = array<i32>} : memref<16x512xf32, #tpu.memory_space<vmem>>, vector<1x16xf32>,
        %get3A_129 = vector.shape_cast %get3A_128 : vector<1x16xf32> to vector<16xf32>
        %mul3A_130 = arith.constant 16 : i32
        %mul3A_131 = arith.muli %scan3A_123, %mul3A_130 : i32
        %get3A_132 = arith.index_cast %scan3A_115 : i32 to index
        %get3A_133 = arith.index_cast %mul3A_131 : i32 to index
        %get3A_134 = tpu.vector_load %arg6[%get3A_132, %get3A_133] {strides = array<i32>} : memref<16x512xf32, #tpu.memory_space<vmem>>, vector<1x16xf32>,
        %get3A_135 = vector.shape_cast %get3A_134 : vector<1x16xf32> to vector<16xf32>
        %abs3A = math.absf %get3A_129 : vector<16xf32>
        %neg3A = arith.constant 0.000000e+00 : f32
        %neg3A_136 = vector.broadcast %neg3A : f32 to vector<16xf32>
        %neg3A_137 = arith.subf %neg3A_136, %abs3A : vector<16xf32>
        %exp3A = math.exp %neg3A_137 : vector<16xf32>
        %add3A_138 = arith.constant 2.000000e+00 : f32
        %add3A_139 = vector.broadcast %add3A_138 : f32 to vector<16xf32>
        %add3A_140 = arith.addf %add3A_139, %exp3A : vector<16xf32>
        %div3A_141 = arith.divf %exp3A, %add3A_140 : vector<16xf32>
        %mul3A_142 = arith.mulf %div3A_141, %div3A_141 : vector<16xf32>
        %mul3A_143 = arith.constant 0.222222224 : f32
        %mul3A_144 = vector.broadcast %mul3A_143 : f32 to vector<16xf32>
        %mul3A_145 = arith.mulf %mul3A_142, %mul3A_144 : vector<16xf32>
        %add3A_146 = arith.constant 0.285714298 : f32
        %add3A_147 = vector.broadcast %add3A_146 : f32 to vector<16xf32>
        %add3A_148 = arith.addf %add3A_147, %mul3A_145 : vector<16xf32>
        %mul3A_149 = arith.mulf %mul3A_142, %add3A_148 : vector<16xf32>
        %add3A_150 = arith.constant 4.000000e-01 : f32
        %add3A_151 = vector.broadcast %add3A_150 : f32 to vector<16xf32>
        %add3A_152 = arith.addf %add3A_151, %mul3A_149 : vector<16xf32>
        %mul3A_153 = arith.mulf %mul3A_142, %add3A_152 : vector<16xf32>
        %add3A_154 = arith.constant 0.666666686 : f32
        %add3A_155 = vector.broadcast %add3A_154 : f32 to vector<16xf32>
        %add3A_156 = arith.addf %add3A_155, %mul3A_153 : vector<16xf32>
        %mul3A_157 = arith.mulf %mul3A_142, %add3A_156 : vector<16xf32>
        %add3A_158 = arith.constant 2.000000e+00 : f32
        %add3A_159 = vector.broadcast %add3A_158 : f32 to vector<16xf32>
        %add3A_160 = arith.addf %add3A_159, %mul3A_157 : vector<16xf32>
        %mul3A_161 = arith.mulf %div3A_141, %add3A_160 : vector<16xf32>
        %max3A = arith.constant 0.000000e+00 : f32
        %max3A_162 = vector.broadcast %max3A : f32 to vector<16xf32>
        %max3A_163 = arith.maximumf %get3A_129, %max3A_162 : vector<16xf32>
        %ge3A = arith.constant 5.000000e-01 : f32
        %ge3A_164 = vector.broadcast %ge3A : f32 to vector<16xf32>
        %ge3A_165 = arith.cmpf oge, %get3A_135, %ge3A_164 : vector<16xf32>
        %jit3A_166 = arith.constant 0.000000e+00 : f32
        %broadcast_in_dim3A_167 = vector.broadcast %jit3A_166 : f32 to vector<16xf32>
        %select_n3A_168 = arith.select %ge3A_165, %get3A_129, %broadcast_in_dim3A_167 : vector<16xi1>, vector<16xf32>
        %sub3A_169 = arith.subf %max3A_163, %select_n3A_168 : vector<16xf32>
        %add3A_170 = arith.addf %sub3A_169, %mul3A_161 : vector<16xf32>
        %add3A_171 = arith.addf %scan3A_124, %add3A_170 : vector<16xf32>
        scf.yield %add3A_171 : vector<16xf32>
      }
      %scan3A_122 = arith.constant 32 : i32
      scf.yield %scan3A_121 : vector<16xf32>
    }
    %scan3A_51 = arith.constant 16 : i32
    %add3A_52 = arith.constant 32 : i32
    %add3A_53 = arith.addi %mul3A_32, %add3A_52 : i32
    %run_scoped3A_54 = arith.constant 0 : i32
    "tpu.region"() ({
      %run_scoped3A_115 = tpu.sem_alloc : memref<!tpu.dma_semaphore, #tpu.memory_space<semaphore_mem>>
      %dma_start3A = arith.constant 0 : i32
      %dma_start3A_116 = tpu.memref_slice %arg2[%select_n3A, %run_scoped3A_54, %add3A_53, %dma_start3A] : memref<8x1x512x512xf32, #tpu.memory_space<hbm>> -> memref<1x1x16x512xf32, #tpu.memory_space<hbm>>
      %dma_start3A_117 = tpu.memref_squeeze %dma_start3A_116 : memref<1x1x16x512xf32, #tpu.memory_space<hbm>> -> memref<16x512xf32, #tpu.memory_space<hbm>>
      %dma_start3A_118 = arith.constant 0 : i32
      %dma_start3A_119 = tpu.memref_slice %arg2[%select_n3A, %run_scoped3A_54, %add3A_53, %dma_start3A_118] : memref<8x1x512x512xf32, #tpu.memory_space<hbm>> -> memref<1x1x16x512xf32, #tpu.memory_space<hbm>>
      %dma_start3A_120 = tpu.memref_squeeze %dma_start3A_119 : memref<1x1x16x512xf32, #tpu.memory_space<hbm>> -> memref<16x512xf32, #tpu.memory_space<hbm>>
      tpu.enqueue_dma source(%dma_start3A_120 : memref<16x512xf32, #tpu.memory_space<hbm>>) target(%arg5 : memref<16x512xf32, #tpu.memory_space<vmem>>) target_semaphore(%run_scoped3A_115 : memref<!tpu.dma_semaphore, #tpu.memory_space<semaphore_mem>>)
      %dma_wait3A = arith.constant 0 : i32
      %dma_wait3A_121 = tpu.memref_slice %arg2[%select_n3A, %run_scoped3A_54, %add3A_53, %dma_wait3A] : memref<8x1x512x512xf32, #tpu.memory_space<hbm>> -> memref<1x1x16x512xf32, #tpu.memory_space<hbm>>
      %dma_wait3A_122 = tpu.memref_squeeze %dma_wait3A_121 : memref<1x1x16x512xf32, #tpu.memory_space<hbm>> -> memref<16x512xf32, #tpu.memory_space<hbm>>
      %dma_wait3A_123 = arith.constant 0 : i32
      %dma_wait3A_124 = tpu.memref_slice %arg2[%select_n3A, %run_scoped3A_54, %add3A_53, %dma_wait3A_123] : memref<8x1x512x512xf32, #tpu.memory_space<hbm>> -> memref<1x1x16x512xf32, #tpu.memory_space<hbm>>
      %dma_wait3A_125 = tpu.memref_squeeze %dma_wait3A_124 : memref<1x1x16x512xf32, #tpu.memory_space<hbm>> -> memref<16x512xf32, #tpu.memory_space<hbm>>
      tpu.wait_dma2 semaphore(%run_scoped3A_115 : memref<!tpu.dma_semaphore, #tpu.memory_space<semaphore_mem>>) src(%dma_wait3A_125 : memref<16x512xf32, #tpu.memory_space<hbm>>) dst(%arg5 : memref<16x512xf32, #tpu.memory_space<vmem>>)
      tpu.yield
    }) : () -> ()
    %run_scoped3A_55 = arith.constant 0 : i32
    "tpu.region"() ({
      %run_scoped3A_115 = tpu.sem_alloc : memref<!tpu.dma_semaphore, #tpu.memory_space<semaphore_mem>>
      %dma_start3A = arith.constant 0 : i32
      %dma_start3A_116 = tpu.memref_slice %arg3[%select_n3A, %run_scoped3A_55, %add3A_53, %dma_start3A] : memref<8x1x512x512xf32, #tpu.memory_space<hbm>> -> memref<1x1x16x512xf32, #tpu.memory_space<hbm>>
      %dma_start3A_117 = tpu.memref_squeeze %dma_start3A_116 : memref<1x1x16x512xf32, #tpu.memory_space<hbm>> -> memref<16x512xf32, #tpu.memory_space<hbm>>
      %dma_start3A_118 = arith.constant 0 : i32
      %dma_start3A_119 = tpu.memref_slice %arg3[%select_n3A, %run_scoped3A_55, %add3A_53, %dma_start3A_118] : memref<8x1x512x512xf32, #tpu.memory_space<hbm>> -> memref<1x1x16x512xf32, #tpu.memory_space<hbm>>
      %dma_start3A_120 = tpu.memref_squeeze %dma_start3A_119 : memref<1x1x16x512xf32, #tpu.memory_space<hbm>> -> memref<16x512xf32, #tpu.memory_space<hbm>>
      tpu.enqueue_dma source(%dma_start3A_120 : memref<16x512xf32, #tpu.memory_space<hbm>>) target(%arg6 : memref<16x512xf32, #tpu.memory_space<vmem>>) target_semaphore(%run_scoped3A_115 : memref<!tpu.dma_semaphore, #tpu.memory_space<semaphore_mem>>)
      %dma_wait3A = arith.constant 0 : i32
      %dma_wait3A_121 = tpu.memref_slice %arg3[%select_n3A, %run_scoped3A_55, %add3A_53, %dma_wait3A] : memref<8x1x512x512xf32, #tpu.memory_space<hbm>> -> memref<1x1x16x512xf32, #tpu.memory_space<hbm>>
      %dma_wait3A_122 = tpu.memref_squeeze %dma_wait3A_121 : memref<1x1x16x512xf32, #tpu.memory_space<hbm>> -> memref<16x512xf32, #tpu.memory_space<hbm>>
      %dma_wait3A_123 = arith.constant 0 : i32
      %dma_wait3A_124 = tpu.memref_slice %arg3[%select_n3A, %run_scoped3A_55, %add3A_53, %dma_wait3A_123] : memref<8x1x512x512xf32, #tpu.memory_space<hbm>> -> memref<1x1x16x512xf32, #tpu.memory_space<hbm>>
      %dma_wait3A_125 = tpu.memref_squeeze %dma_wait3A_124 : memref<1x1x16x512xf32, #tpu.memory_space<hbm>> -> memref<16x512xf32, #tpu.memory_space<hbm>>
      tpu.wait_dma2 semaphore(%run_scoped3A_115 : memref<!tpu.dma_semaphore, #tpu.memory_space<semaphore_mem>>) src(%dma_wait3A_125 : memref<16x512xf32, #tpu.memory_space<hbm>>) dst(%arg6 : memref<16x512xf32, #tpu.memory_space<vmem>>)
      tpu.yield
    }) : () -> ()
    %scan3A_56 = arith.constant 0 : i32
    %scan3A_57 = arith.constant 16 : i32
    %scan3A_58 = arith.addi %scan3A_56, %scan3A_57 : i32
    %scan3A_59 = arith.constant 1 : i32
    %scan3A_60 = scf.for %scan3A_115 = %scan3A_56 to %scan3A_58 step %scan3A_59 iter_args(%scan3A_116 = %scan3A_50) -> (vector<16xf32>)  : i32 {
      %scan3A_117 = arith.constant 0 : i32
      %scan3A_118 = arith.constant 32 : i32
      %scan3A_119 = arith.addi %scan3A_117, %scan3A_118 : i32
      %scan3A_120 = arith.constant 1 : i32
      %scan3A_121 = scf.for %scan3A_123 = %scan3A_117 to %scan3A_119 step %scan3A_120 iter_args(%scan3A_124 = %scan3A_116) -> (vector<16xf32>)  : i32 {
        %mul3A_125 = arith.constant 16 : i32
        %mul3A_126 = arith.muli %scan3A_123, %mul3A_125 : i32
        %get3A = arith.index_cast %scan3A_115 : i32 to index
        %get3A_127 = arith.index_cast %mul3A_126 : i32 to index
        %get3A_128 = tpu.vector_load %arg5[%get3A, %get3A_127] {strides = array<i32>} : memref<16x512xf32, #tpu.memory_space<vmem>>, vector<1x16xf32>,
        %get3A_129 = vector.shape_cast %get3A_128 : vector<1x16xf32> to vector<16xf32>
        %mul3A_130 = arith.constant 16 : i32
        %mul3A_131 = arith.muli %scan3A_123, %mul3A_130 : i32
        %get3A_132 = arith.index_cast %scan3A_115 : i32 to index
        %get3A_133 = arith.index_cast %mul3A_131 : i32 to index
        %get3A_134 = tpu.vector_load %arg6[%get3A_132, %get3A_133] {strides = array<i32>} : memref<16x512xf32, #tpu.memory_space<vmem>>, vector<1x16xf32>,
        %get3A_135 = vector.shape_cast %get3A_134 : vector<1x16xf32> to vector<16xf32>
        %abs3A = math.absf %get3A_129 : vector<16xf32>
        %neg3A = arith.constant 0.000000e+00 : f32
        %neg3A_136 = vector.broadcast %neg3A : f32 to vector<16xf32>
        %neg3A_137 = arith.subf %neg3A_136, %abs3A : vector<16xf32>
        %exp3A = math.exp %neg3A_137 : vector<16xf32>
        %add3A_138 = arith.constant 2.000000e+00 : f32
        %add3A_139 = vector.broadcast %add3A_138 : f32 to vector<16xf32>
        %add3A_140 = arith.addf %add3A_139, %exp3A : vector<16xf32>
        %div3A_141 = arith.divf %exp3A, %add3A_140 : vector<16xf32>
        %mul3A_142 = arith.mulf %div3A_141, %div3A_141 : vector<16xf32>
        %mul3A_143 = arith.constant 0.222222224 : f32
        %mul3A_144 = vector.broadcast %mul3A_143 : f32 to vector<16xf32>
        %mul3A_145 = arith.mulf %mul3A_142, %mul3A_144 : vector<16xf32>
        %add3A_146 = arith.constant 0.285714298 : f32
        %add3A_147 = vector.broadcast %add3A_146 : f32 to vector<16xf32>
        %add3A_148 = arith.addf %add3A_147, %mul3A_145 : vector<16xf32>
        %mul3A_149 = arith.mulf %mul3A_142, %add3A_148 : vector<16xf32>
        %add3A_150 = arith.constant 4.000000e-01 : f32
        %add3A_151 = vector.broadcast %add3A_150 : f32 to vector<16xf32>
        %add3A_152 = arith.addf %add3A_151, %mul3A_149 : vector<16xf32>
        %mul3A_153 = arith.mulf %mul3A_142, %add3A_152 : vector<16xf32>
        %add3A_154 = arith.constant 0.666666686 : f32
        %add3A_155 = vector.broadcast %add3A_154 : f32 to vector<16xf32>
        %add3A_156 = arith.addf %add3A_155, %mul3A_153 : vector<16xf32>
        %mul3A_157 = arith.mulf %mul3A_142, %add3A_156 : vector<16xf32>
        %add3A_158 = arith.constant 2.000000e+00 : f32
        %add3A_159 = vector.broadcast %add3A_158 : f32 to vector<16xf32>
        %add3A_160 = arith.addf %add3A_159, %mul3A_157 : vector<16xf32>
        %mul3A_161 = arith.mulf %div3A_141, %add3A_160 : vector<16xf32>
        %max3A = arith.constant 0.000000e+00 : f32
        %max3A_162 = vector.broadcast %max3A : f32 to vector<16xf32>
        %max3A_163 = arith.maximumf %get3A_129, %max3A_162 : vector<16xf32>
        %ge3A = arith.constant 5.000000e-01 : f32
        %ge3A_164 = vector.broadcast %ge3A : f32 to vector<16xf32>
        %ge3A_165 = arith.cmpf oge, %get3A_135, %ge3A_164 : vector<16xf32>
        %jit3A_166 = arith.constant 0.000000e+00 : f32
        %broadcast_in_dim3A_167 = vector.broadcast %jit3A_166 : f32 to vector<16xf32>
        %select_n3A_168 = arith.select %ge3A_165, %get3A_129, %broadcast_in_dim3A_167 : vector<16xi1>, vector<16xf32>
        %sub3A_169 = arith.subf %max3A_163, %select_n3A_168 : vector<16xf32>
        %add3A_170 = arith.addf %sub3A_169, %mul3A_161 : vector<16xf32>
        %add3A_171 = arith.addf %scan3A_124, %add3A_170 : vector<16xf32>
        scf.yield %add3A_171 : vector<16xf32>
      }
      %scan3A_122 = arith.constant 32 : i32
      scf.yield %scan3A_121 : vector<16xf32>
    }
    %scan3A_61 = arith.constant 16 : i32
    %add3A_62 = arith.constant 48 : i32
    %add3A_63 = arith.addi %mul3A_32, %add3A_62 : i32
    %run_scoped3A_64 = arith.constant 0 : i32
    "tpu.region"() ({
      %run_scoped3A_115 = tpu.sem_alloc : memref<!tpu.dma_semaphore, #tpu.memory_space<semaphore_mem>>
      %dma_start3A = arith.constant 0 : i32
      %dma_start3A_116 = tpu.memref_slice %arg2[%select_n3A, %run_scoped3A_64, %add3A_63, %dma_start3A] : memref<8x1x512x512xf32, #tpu.memory_space<hbm>> -> memref<1x1x16x512xf32, #tpu.memory_space<hbm>>
      %dma_start3A_117 = tpu.memref_squeeze %dma_start3A_116 : memref<1x1x16x512xf32, #tpu.memory_space<hbm>> -> memref<16x512xf32, #tpu.memory_space<hbm>>
      %dma_start3A_118 = arith.constant 0 : i32
      %dma_start3A_119 = tpu.memref_slice %arg2[%select_n3A, %run_scoped3A_64, %add3A_63, %dma_start3A_118] : memref<8x1x512x512xf32, #tpu.memory_space<hbm>> -> memref<1x1x16x512xf32, #tpu.memory_space<hbm>>
      %dma_start3A_120 = tpu.memref_squeeze %dma_start3A_119 : memref<1x1x16x512xf32, #tpu.memory_space<hbm>> -> memref<16x512xf32, #tpu.memory_space<hbm>>
      tpu.enqueue_dma source(%dma_start3A_120 : memref<16x512xf32, #tpu.memory_space<hbm>>) target(%arg5 : memref<16x512xf32, #tpu.memory_space<vmem>>) target_semaphore(%run_scoped3A_115 : memref<!tpu.dma_semaphore, #tpu.memory_space<semaphore_mem>>)
      %dma_wait3A = arith.constant 0 : i32
      %dma_wait3A_121 = tpu.memref_slice %arg2[%select_n3A, %run_scoped3A_64, %add3A_63, %dma_wait3A] : memref<8x1x512x512xf32, #tpu.memory_space<hbm>> -> memref<1x1x16x512xf32, #tpu.memory_space<hbm>>
      %dma_wait3A_122 = tpu.memref_squeeze %dma_wait3A_121 : memref<1x1x16x512xf32, #tpu.memory_space<hbm>> -> memref<16x512xf32, #tpu.memory_space<hbm>>
      %dma_wait3A_123 = arith.constant 0 : i32
      %dma_wait3A_124 = tpu.memref_slice %arg2[%select_n3A, %run_scoped3A_64, %add3A_63, %dma_wait3A_123] : memref<8x1x512x512xf32, #tpu.memory_space<hbm>> -> memref<1x1x16x512xf32, #tpu.memory_space<hbm>>
      %dma_wait3A_125 = tpu.memref_squeeze %dma_wait3A_124 : memref<1x1x16x512xf32, #tpu.memory_space<hbm>> -> memref<16x512xf32, #tpu.memory_space<hbm>>
      tpu.wait_dma2 semaphore(%run_scoped3A_115 : memref<!tpu.dma_semaphore, #tpu.memory_space<semaphore_mem>>) src(%dma_wait3A_125 : memref<16x512xf32, #tpu.memory_space<hbm>>) dst(%arg5 : memref<16x512xf32, #tpu.memory_space<vmem>>)
      tpu.yield
    }) : () -> ()
    %run_scoped3A_65 = arith.constant 0 : i32
    "tpu.region"() ({
      %run_scoped3A_115 = tpu.sem_alloc : memref<!tpu.dma_semaphore, #tpu.memory_space<semaphore_mem>>
      %dma_start3A = arith.constant 0 : i32
      %dma_start3A_116 = tpu.memref_slice %arg3[%select_n3A, %run_scoped3A_65, %add3A_63, %dma_start3A] : memref<8x1x512x512xf32, #tpu.memory_space<hbm>> -> memref<1x1x16x512xf32, #tpu.memory_space<hbm>>
      %dma_start3A_117 = tpu.memref_squeeze %dma_start3A_116 : memref<1x1x16x512xf32, #tpu.memory_space<hbm>> -> memref<16x512xf32, #tpu.memory_space<hbm>>
      %dma_start3A_118 = arith.constant 0 : i32
      %dma_start3A_119 = tpu.memref_slice %arg3[%select_n3A, %run_scoped3A_65, %add3A_63, %dma_start3A_118] : memref<8x1x512x512xf32, #tpu.memory_space<hbm>> -> memref<1x1x16x512xf32, #tpu.memory_space<hbm>>
      %dma_start3A_120 = tpu.memref_squeeze %dma_start3A_119 : memref<1x1x16x512xf32, #tpu.memory_space<hbm>> -> memref<16x512xf32, #tpu.memory_space<hbm>>
      tpu.enqueue_dma source(%dma_start3A_120 : memref<16x512xf32, #tpu.memory_space<hbm>>) target(%arg6 : memref<16x512xf32, #tpu.memory_space<vmem>>) target_semaphore(%run_scoped3A_115 : memref<!tpu.dma_semaphore, #tpu.memory_space<semaphore_mem>>)
      %dma_wait3A = arith.constant 0 : i32
      %dma_wait3A_121 = tpu.memref_slice %arg3[%select_n3A, %run_scoped3A_65, %add3A_63, %dma_wait3A] : memref<8x1x512x512xf32, #tpu.memory_space<hbm>> -> memref<1x1x16x512xf32, #tpu.memory_space<hbm>>
      %dma_wait3A_122 = tpu.memref_squeeze %dma_wait3A_121 : memref<1x1x16x512xf32, #tpu.memory_space<hbm>> -> memref<16x512xf32, #tpu.memory_space<hbm>>
      %dma_wait3A_123 = arith.constant 0 : i32
      %dma_wait3A_124 = tpu.memref_slice %arg3[%select_n3A, %run_scoped3A_65, %add3A_63, %dma_wait3A_123] : memref<8x1x512x512xf32, #tpu.memory_space<hbm>> -> memref<1x1x16x512xf32, #tpu.memory_space<hbm>>
      %dma_wait3A_125 = tpu.memref_squeeze %dma_wait3A_124 : memref<1x1x16x512xf32, #tpu.memory_space<hbm>> -> memref<16x512xf32, #tpu.memory_space<hbm>>
      tpu.wait_dma2 semaphore(%run_scoped3A_115 : memref<!tpu.dma_semaphore, #tpu.memory_space<semaphore_mem>>) src(%dma_wait3A_125 : memref<16x512xf32, #tpu.memory_space<hbm>>) dst(%arg6 : memref<16x512xf32, #tpu.memory_space<vmem>>)
      tpu.yield
    }) : () -> ()
    %scan3A_66 = arith.constant 0 : i32
    %scan3A_67 = arith.constant 16 : i32
    %scan3A_68 = arith.addi %scan3A_66, %scan3A_67 : i32
    %scan3A_69 = arith.constant 1 : i32
    %scan3A_70 = scf.for %scan3A_115 = %scan3A_66 to %scan3A_68 step %scan3A_69 iter_args(%scan3A_116 = %scan3A_60) -> (vector<16xf32>)  : i32 {
      %scan3A_117 = arith.constant 0 : i32
      %scan3A_118 = arith.constant 32 : i32
      %scan3A_119 = arith.addi %scan3A_117, %scan3A_118 : i32
      %scan3A_120 = arith.constant 1 : i32
      %scan3A_121 = scf.for %scan3A_123 = %scan3A_117 to %scan3A_119 step %scan3A_120 iter_args(%scan3A_124 = %scan3A_116) -> (vector<16xf32>)  : i32 {
        %mul3A_125 = arith.constant 16 : i32
        %mul3A_126 = arith.muli %scan3A_123, %mul3A_125 : i32
        %get3A = arith.index_cast %scan3A_115 : i32 to index
        %get3A_127 = arith.index_cast %mul3A_126 : i32 to index
        %get3A_128 = tpu.vector_load %arg5[%get3A, %get3A_127] {strides = array<i32>} : memref<16x512xf32, #tpu.memory_space<vmem>>, vector<1x16xf32>,
        %get3A_129 = vector.shape_cast %get3A_128 : vector<1x16xf32> to vector<16xf32>
        %mul3A_130 = arith.constant 16 : i32
        %mul3A_131 = arith.muli %scan3A_123, %mul3A_130 : i32
        %get3A_132 = arith.index_cast %scan3A_115 : i32 to index
        %get3A_133 = arith.index_cast %mul3A_131 : i32 to index
        %get3A_134 = tpu.vector_load %arg6[%get3A_132, %get3A_133] {strides = array<i32>} : memref<16x512xf32, #tpu.memory_space<vmem>>, vector<1x16xf32>,
        %get3A_135 = vector.shape_cast %get3A_134 : vector<1x16xf32> to vector<16xf32>
        %abs3A = math.absf %get3A_129 : vector<16xf32>
        %neg3A = arith.constant 0.000000e+00 : f32
        %neg3A_136 = vector.broadcast %neg3A : f32 to vector<16xf32>
        %neg3A_137 = arith.subf %neg3A_136, %abs3A : vector<16xf32>
        %exp3A = math.exp %neg3A_137 : vector<16xf32>
        %add3A_138 = arith.constant 2.000000e+00 : f32
        %add3A_139 = vector.broadcast %add3A_138 : f32 to vector<16xf32>
        %add3A_140 = arith.addf %add3A_139, %exp3A : vector<16xf32>
        %div3A_141 = arith.divf %exp3A, %add3A_140 : vector<16xf32>
        %mul3A_142 = arith.mulf %div3A_141, %div3A_141 : vector<16xf32>
        %mul3A_143 = arith.constant 0.222222224 : f32
        %mul3A_144 = vector.broadcast %mul3A_143 : f32 to vector<16xf32>
        %mul3A_145 = arith.mulf %mul3A_142, %mul3A_144 : vector<16xf32>
        %add3A_146 = arith.constant 0.285714298 : f32
        %add3A_147 = vector.broadcast %add3A_146 : f32 to vector<16xf32>
        %add3A_148 = arith.addf %add3A_147, %mul3A_145 : vector<16xf32>
        %mul3A_149 = arith.mulf %mul3A_142, %add3A_148 : vector<16xf32>
        %add3A_150 = arith.constant 4.000000e-01 : f32
        %add3A_151 = vector.broadcast %add3A_150 : f32 to vector<16xf32>
        %add3A_152 = arith.addf %add3A_151, %mul3A_149 : vector<16xf32>
        %mul3A_153 = arith.mulf %mul3A_142, %add3A_152 : vector<16xf32>
        %add3A_154 = arith.constant 0.666666686 : f32
        %add3A_155 = vector.broadcast %add3A_154 : f32 to vector<16xf32>
        %add3A_156 = arith.addf %add3A_155, %mul3A_153 : vector<16xf32>
        %mul3A_157 = arith.mulf %mul3A_142, %add3A_156 : vector<16xf32>
        %add3A_158 = arith.constant 2.000000e+00 : f32
        %add3A_159 = vector.broadcast %add3A_158 : f32 to vector<16xf32>
        %add3A_160 = arith.addf %add3A_159, %mul3A_157 : vector<16xf32>
        %mul3A_161 = arith.mulf %div3A_141, %add3A_160 : vector<16xf32>
        %max3A = arith.constant 0.000000e+00 : f32
        %max3A_162 = vector.broadcast %max3A : f32 to vector<16xf32>
        %max3A_163 = arith.maximumf %get3A_129, %max3A_162 : vector<16xf32>
        %ge3A = arith.constant 5.000000e-01 : f32
        %ge3A_164 = vector.broadcast %ge3A : f32 to vector<16xf32>
        %ge3A_165 = arith.cmpf oge, %get3A_135, %ge3A_164 : vector<16xf32>
        %jit3A_166 = arith.constant 0.000000e+00 : f32
        %broadcast_in_dim3A_167 = vector.broadcast %jit3A_166 : f32 to vector<16xf32>
        %select_n3A_168 = arith.select %ge3A_165, %get3A_129, %broadcast_in_dim3A_167 : vector<16xi1>, vector<16xf32>
        %sub3A_169 = arith.subf %max3A_163, %select_n3A_168 : vector<16xf32>
        %add3A_170 = arith.addf %sub3A_169, %mul3A_161 : vector<16xf32>
        %add3A_171 = arith.addf %scan3A_124, %add3A_170 : vector<16xf32>
        scf.yield %add3A_171 : vector<16xf32>
      }
      %scan3A_122 = arith.constant 32 : i32
      scf.yield %scan3A_121 : vector<16xf32>
    }
    %scan3A_71 = arith.constant 16 : i32
    %add3A_72 = arith.constant 64 : i32
    %add3A_73 = arith.addi %mul3A_32, %add3A_72 : i32
    %run_scoped3A_74 = arith.constant 0 : i32
    "tpu.region"() ({
      %run_scoped3A_115 = tpu.sem_alloc : memref<!tpu.dma_semaphore, #tpu.memory_space<semaphore_mem>>
      %dma_start3A = arith.constant 0 : i32
      %dma_start3A_116 = tpu.memref_slice %arg2[%select_n3A, %run_scoped3A_74, %add3A_73, %dma_start3A] : memref<8x1x512x512xf32, #tpu.memory_space<hbm>> -> memref<1x1x16x512xf32, #tpu.memory_space<hbm>>
      %dma_start3A_117 = tpu.memref_squeeze %dma_start3A_116 : memref<1x1x16x512xf32, #tpu.memory_space<hbm>> -> memref<16x512xf32, #tpu.memory_space<hbm>>
      %dma_start3A_118 = arith.constant 0 : i32
      %dma_start3A_119 = tpu.memref_slice %arg2[%select_n3A, %run_scoped3A_74, %add3A_73, %dma_start3A_118] : memref<8x1x512x512xf32, #tpu.memory_space<hbm>> -> memref<1x1x16x512xf32, #tpu.memory_space<hbm>>
      %dma_start3A_120 = tpu.memref_squeeze %dma_start3A_119 : memref<1x1x16x512xf32, #tpu.memory_space<hbm>> -> memref<16x512xf32, #tpu.memory_space<hbm>>
      tpu.enqueue_dma source(%dma_start3A_120 : memref<16x512xf32, #tpu.memory_space<hbm>>) target(%arg5 : memref<16x512xf32, #tpu.memory_space<vmem>>) target_semaphore(%run_scoped3A_115 : memref<!tpu.dma_semaphore, #tpu.memory_space<semaphore_mem>>)
      %dma_wait3A = arith.constant 0 : i32
      %dma_wait3A_121 = tpu.memref_slice %arg2[%select_n3A, %run_scoped3A_74, %add3A_73, %dma_wait3A] : memref<8x1x512x512xf32, #tpu.memory_space<hbm>> -> memref<1x1x16x512xf32, #tpu.memory_space<hbm>>
      %dma_wait3A_122 = tpu.memref_squeeze %dma_wait3A_121 : memref<1x1x16x512xf32, #tpu.memory_space<hbm>> -> memref<16x512xf32, #tpu.memory_space<hbm>>
      %dma_wait3A_123 = arith.constant 0 : i32
      %dma_wait3A_124 = tpu.memref_slice %arg2[%select_n3A, %run_scoped3A_74, %add3A_73, %dma_wait3A_123] : memref<8x1x512x512xf32, #tpu.memory_space<hbm>> -> memref<1x1x16x512xf32, #tpu.memory_space<hbm>>
      %dma_wait3A_125 = tpu.memref_squeeze %dma_wait3A_124 : memref<1x1x16x512xf32, #tpu.memory_space<hbm>> -> memref<16x512xf32, #tpu.memory_space<hbm>>
      tpu.wait_dma2 semaphore(%run_scoped3A_115 : memref<!tpu.dma_semaphore, #tpu.memory_space<semaphore_mem>>) src(%dma_wait3A_125 : memref<16x512xf32, #tpu.memory_space<hbm>>) dst(%arg5 : memref<16x512xf32, #tpu.memory_space<vmem>>)
      tpu.yield
    }) : () -> ()
    %run_scoped3A_75 = arith.constant 0 : i32
    "tpu.region"() ({
      %run_scoped3A_115 = tpu.sem_alloc : memref<!tpu.dma_semaphore, #tpu.memory_space<semaphore_mem>>
      %dma_start3A = arith.constant 0 : i32
      %dma_start3A_116 = tpu.memref_slice %arg3[%select_n3A, %run_scoped3A_75, %add3A_73, %dma_start3A] : memref<8x1x512x512xf32, #tpu.memory_space<hbm>> -> memref<1x1x16x512xf32, #tpu.memory_space<hbm>>
      %dma_start3A_117 = tpu.memref_squeeze %dma_start3A_116 : memref<1x1x16x512xf32, #tpu.memory_space<hbm>> -> memref<16x512xf32, #tpu.memory_space<hbm>>
      %dma_start3A_118 = arith.constant 0 : i32
      %dma_start3A_119 = tpu.memref_slice %arg3[%select_n3A, %run_scoped3A_75, %add3A_73, %dma_start3A_118] : memref<8x1x512x512xf32, #tpu.memory_space<hbm>> -> memref<1x1x16x512xf32, #tpu.memory_space<hbm>>
      %dma_start3A_120 = tpu.memref_squeeze %dma_start3A_119 : memref<1x1x16x512xf32, #tpu.memory_space<hbm>> -> memref<16x512xf32, #tpu.memory_space<hbm>>
      tpu.enqueue_dma source(%dma_start3A_120 : memref<16x512xf32, #tpu.memory_space<hbm>>) target(%arg6 : memref<16x512xf32, #tpu.memory_space<vmem>>) target_semaphore(%run_scoped3A_115 : memref<!tpu.dma_semaphore, #tpu.memory_space<semaphore_mem>>)
      %dma_wait3A = arith.constant 0 : i32
      %dma_wait3A_121 = tpu.memref_slice %arg3[%select_n3A, %run_scoped3A_75, %add3A_73, %dma_wait3A] : memref<8x1x512x512xf32, #tpu.memory_space<hbm>> -> memref<1x1x16x512xf32, #tpu.memory_space<hbm>>
      %dma_wait3A_122 = tpu.memref_squeeze %dma_wait3A_121 : memref<1x1x16x512xf32, #tpu.memory_space<hbm>> -> memref<16x512xf32, #tpu.memory_space<hbm>>
      %dma_wait3A_123 = arith.constant 0 : i32
      %dma_wait3A_124 = tpu.memref_slice %arg3[%select_n3A, %run_scoped3A_75, %add3A_73, %dma_wait3A_123] : memref<8x1x512x512xf32, #tpu.memory_space<hbm>> -> memref<1x1x16x512xf32, #tpu.memory_space<hbm>>
      %dma_wait3A_125 = tpu.memref_squeeze %dma_wait3A_124 : memref<1x1x16x512xf32, #tpu.memory_space<hbm>> -> memref<16x512xf32, #tpu.memory_space<hbm>>
      tpu.wait_dma2 semaphore(%run_scoped3A_115 : memref<!tpu.dma_semaphore, #tpu.memory_space<semaphore_mem>>) src(%dma_wait3A_125 : memref<16x512xf32, #tpu.memory_space<hbm>>) dst(%arg6 : memref<16x512xf32, #tpu.memory_space<vmem>>)
      tpu.yield
    }) : () -> ()
    %scan3A_76 = arith.constant 0 : i32
    %scan3A_77 = arith.constant 16 : i32
    %scan3A_78 = arith.addi %scan3A_76, %scan3A_77 : i32
    %scan3A_79 = arith.constant 1 : i32
    %scan3A_80 = scf.for %scan3A_115 = %scan3A_76 to %scan3A_78 step %scan3A_79 iter_args(%scan3A_116 = %scan3A_70) -> (vector<16xf32>)  : i32 {
      %scan3A_117 = arith.constant 0 : i32
      %scan3A_118 = arith.constant 32 : i32
      %scan3A_119 = arith.addi %scan3A_117, %scan3A_118 : i32
      %scan3A_120 = arith.constant 1 : i32
      %scan3A_121 = scf.for %scan3A_123 = %scan3A_117 to %scan3A_119 step %scan3A_120 iter_args(%scan3A_124 = %scan3A_116) -> (vector<16xf32>)  : i32 {
        %mul3A_125 = arith.constant 16 : i32
        %mul3A_126 = arith.muli %scan3A_123, %mul3A_125 : i32
        %get3A = arith.index_cast %scan3A_115 : i32 to index
        %get3A_127 = arith.index_cast %mul3A_126 : i32 to index
        %get3A_128 = tpu.vector_load %arg5[%get3A, %get3A_127] {strides = array<i32>} : memref<16x512xf32, #tpu.memory_space<vmem>>, vector<1x16xf32>,
        %get3A_129 = vector.shape_cast %get3A_128 : vector<1x16xf32> to vector<16xf32>
        %mul3A_130 = arith.constant 16 : i32
        %mul3A_131 = arith.muli %scan3A_123, %mul3A_130 : i32
        %get3A_132 = arith.index_cast %scan3A_115 : i32 to index
        %get3A_133 = arith.index_cast %mul3A_131 : i32 to index
        %get3A_134 = tpu.vector_load %arg6[%get3A_132, %get3A_133] {strides = array<i32>} : memref<16x512xf32, #tpu.memory_space<vmem>>, vector<1x16xf32>,
        %get3A_135 = vector.shape_cast %get3A_134 : vector<1x16xf32> to vector<16xf32>
        %abs3A = math.absf %get3A_129 : vector<16xf32>
        %neg3A = arith.constant 0.000000e+00 : f32
        %neg3A_136 = vector.broadcast %neg3A : f32 to vector<16xf32>
        %neg3A_137 = arith.subf %neg3A_136, %abs3A : vector<16xf32>
        %exp3A = math.exp %neg3A_137 : vector<16xf32>
        %add3A_138 = arith.constant 2.000000e+00 : f32
        %add3A_139 = vector.broadcast %add3A_138 : f32 to vector<16xf32>
        %add3A_140 = arith.addf %add3A_139, %exp3A : vector<16xf32>
        %div3A_141 = arith.divf %exp3A, %add3A_140 : vector<16xf32>
        %mul3A_142 = arith.mulf %div3A_141, %div3A_141 : vector<16xf32>
        %mul3A_143 = arith.constant 0.222222224 : f32
        %mul3A_144 = vector.broadcast %mul3A_143 : f32 to vector<16xf32>
        %mul3A_145 = arith.mulf %mul3A_142, %mul3A_144 : vector<16xf32>
        %add3A_146 = arith.constant 0.285714298 : f32
        %add3A_147 = vector.broadcast %add3A_146 : f32 to vector<16xf32>
        %add3A_148 = arith.addf %add3A_147, %mul3A_145 : vector<16xf32>
        %mul3A_149 = arith.mulf %mul3A_142, %add3A_148 : vector<16xf32>
        %add3A_150 = arith.constant 4.000000e-01 : f32
        %add3A_151 = vector.broadcast %add3A_150 : f32 to vector<16xf32>
        %add3A_152 = arith.addf %add3A_151, %mul3A_149 : vector<16xf32>
        %mul3A_153 = arith.mulf %mul3A_142, %add3A_152 : vector<16xf32>
        %add3A_154 = arith.constant 0.666666686 : f32
        %add3A_155 = vector.broadcast %add3A_154 : f32 to vector<16xf32>
        %add3A_156 = arith.addf %add3A_155, %mul3A_153 : vector<16xf32>
        %mul3A_157 = arith.mulf %mul3A_142, %add3A_156 : vector<16xf32>
        %add3A_158 = arith.constant 2.000000e+00 : f32
        %add3A_159 = vector.broadcast %add3A_158 : f32 to vector<16xf32>
        %add3A_160 = arith.addf %add3A_159, %mul3A_157 : vector<16xf32>
        %mul3A_161 = arith.mulf %div3A_141, %add3A_160 : vector<16xf32>
        %max3A = arith.constant 0.000000e+00 : f32
        %max3A_162 = vector.broadcast %max3A : f32 to vector<16xf32>
        %max3A_163 = arith.maximumf %get3A_129, %max3A_162 : vector<16xf32>
        %ge3A = arith.constant 5.000000e-01 : f32
        %ge3A_164 = vector.broadcast %ge3A : f32 to vector<16xf32>
        %ge3A_165 = arith.cmpf oge, %get3A_135, %ge3A_164 : vector<16xf32>
        %jit3A_166 = arith.constant 0.000000e+00 : f32
        %broadcast_in_dim3A_167 = vector.broadcast %jit3A_166 : f32 to vector<16xf32>
        %select_n3A_168 = arith.select %ge3A_165, %get3A_129, %broadcast_in_dim3A_167 : vector<16xi1>, vector<16xf32>
        %sub3A_169 = arith.subf %max3A_163, %select_n3A_168 : vector<16xf32>
        %add3A_170 = arith.addf %sub3A_169, %mul3A_161 : vector<16xf32>
        %add3A_171 = arith.addf %scan3A_124, %add3A_170 : vector<16xf32>
        scf.yield %add3A_171 : vector<16xf32>
      }
      %scan3A_122 = arith.constant 32 : i32
      scf.yield %scan3A_121 : vector<16xf32>
    }
    %scan3A_81 = arith.constant 16 : i32
    %add3A_82 = arith.constant 80 : i32
    %add3A_83 = arith.addi %mul3A_32, %add3A_82 : i32
    %run_scoped3A_84 = arith.constant 0 : i32
    "tpu.region"() ({
      %run_scoped3A_115 = tpu.sem_alloc : memref<!tpu.dma_semaphore, #tpu.memory_space<semaphore_mem>>
      %dma_start3A = arith.constant 0 : i32
      %dma_start3A_116 = tpu.memref_slice %arg2[%select_n3A, %run_scoped3A_84, %add3A_83, %dma_start3A] : memref<8x1x512x512xf32, #tpu.memory_space<hbm>> -> memref<1x1x16x512xf32, #tpu.memory_space<hbm>>
      %dma_start3A_117 = tpu.memref_squeeze %dma_start3A_116 : memref<1x1x16x512xf32, #tpu.memory_space<hbm>> -> memref<16x512xf32, #tpu.memory_space<hbm>>
      %dma_start3A_118 = arith.constant 0 : i32
      %dma_start3A_119 = tpu.memref_slice %arg2[%select_n3A, %run_scoped3A_84, %add3A_83, %dma_start3A_118] : memref<8x1x512x512xf32, #tpu.memory_space<hbm>> -> memref<1x1x16x512xf32, #tpu.memory_space<hbm>>
      %dma_start3A_120 = tpu.memref_squeeze %dma_start3A_119 : memref<1x1x16x512xf32, #tpu.memory_space<hbm>> -> memref<16x512xf32, #tpu.memory_space<hbm>>
      tpu.enqueue_dma source(%dma_start3A_120 : memref<16x512xf32, #tpu.memory_space<hbm>>) target(%arg5 : memref<16x512xf32, #tpu.memory_space<vmem>>) target_semaphore(%run_scoped3A_115 : memref<!tpu.dma_semaphore, #tpu.memory_space<semaphore_mem>>)
      %dma_wait3A = arith.constant 0 : i32
      %dma_wait3A_121 = tpu.memref_slice %arg2[%select_n3A, %run_scoped3A_84, %add3A_83, %dma_wait3A] : memref<8x1x512x512xf32, #tpu.memory_space<hbm>> -> memref<1x1x16x512xf32, #tpu.memory_space<hbm>>
      %dma_wait3A_122 = tpu.memref_squeeze %dma_wait3A_121 : memref<1x1x16x512xf32, #tpu.memory_space<hbm>> -> memref<16x512xf32, #tpu.memory_space<hbm>>
      %dma_wait3A_123 = arith.constant 0 : i32
      %dma_wait3A_124 = tpu.memref_slice %arg2[%select_n3A, %run_scoped3A_84, %add3A_83, %dma_wait3A_123] : memref<8x1x512x512xf32, #tpu.memory_space<hbm>> -> memref<1x1x16x512xf32, #tpu.memory_space<hbm>>
      %dma_wait3A_125 = tpu.memref_squeeze %dma_wait3A_124 : memref<1x1x16x512xf32, #tpu.memory_space<hbm>> -> memref<16x512xf32, #tpu.memory_space<hbm>>
      tpu.wait_dma2 semaphore(%run_scoped3A_115 : memref<!tpu.dma_semaphore, #tpu.memory_space<semaphore_mem>>) src(%dma_wait3A_125 : memref<16x512xf32, #tpu.memory_space<hbm>>) dst(%arg5 : memref<16x512xf32, #tpu.memory_space<vmem>>)
      tpu.yield
    }) : () -> ()
    %run_scoped3A_85 = arith.constant 0 : i32
    "tpu.region"() ({
      %run_scoped3A_115 = tpu.sem_alloc : memref<!tpu.dma_semaphore, #tpu.memory_space<semaphore_mem>>
      %dma_start3A = arith.constant 0 : i32
      %dma_start3A_116 = tpu.memref_slice %arg3[%select_n3A, %run_scoped3A_85, %add3A_83, %dma_start3A] : memref<8x1x512x512xf32, #tpu.memory_space<hbm>> -> memref<1x1x16x512xf32, #tpu.memory_space<hbm>>
      %dma_start3A_117 = tpu.memref_squeeze %dma_start3A_116 : memref<1x1x16x512xf32, #tpu.memory_space<hbm>> -> memref<16x512xf32, #tpu.memory_space<hbm>>
      %dma_start3A_118 = arith.constant 0 : i32
      %dma_start3A_119 = tpu.memref_slice %arg3[%select_n3A, %run_scoped3A_85, %add3A_83, %dma_start3A_118] : memref<8x1x512x512xf32, #tpu.memory_space<hbm>> -> memref<1x1x16x512xf32, #tpu.memory_space<hbm>>
      %dma_start3A_120 = tpu.memref_squeeze %dma_start3A_119 : memref<1x1x16x512xf32, #tpu.memory_space<hbm>> -> memref<16x512xf32, #tpu.memory_space<hbm>>
      tpu.enqueue_dma source(%dma_start3A_120 : memref<16x512xf32, #tpu.memory_space<hbm>>) target(%arg6 : memref<16x512xf32, #tpu.memory_space<vmem>>) target_semaphore(%run_scoped3A_115 : memref<!tpu.dma_semaphore, #tpu.memory_space<semaphore_mem>>)
      %dma_wait3A = arith.constant 0 : i32
      %dma_wait3A_121 = tpu.memref_slice %arg3[%select_n3A, %run_scoped3A_85, %add3A_83, %dma_wait3A] : memref<8x1x512x512xf32, #tpu.memory_space<hbm>> -> memref<1x1x16x512xf32, #tpu.memory_space<hbm>>
      %dma_wait3A_122 = tpu.memref_squeeze %dma_wait3A_121 : memref<1x1x16x512xf32, #tpu.memory_space<hbm>> -> memref<16x512xf32, #tpu.memory_space<hbm>>
      %dma_wait3A_123 = arith.constant 0 : i32
      %dma_wait3A_124 = tpu.memref_slice %arg3[%select_n3A, %run_scoped3A_85, %add3A_83, %dma_wait3A_123] : memref<8x1x512x512xf32, #tpu.memory_space<hbm>> -> memref<1x1x16x512xf32, #tpu.memory_space<hbm>>
      %dma_wait3A_125 = tpu.memref_squeeze %dma_wait3A_124 : memref<1x1x16x512xf32, #tpu.memory_space<hbm>> -> memref<16x512xf32, #tpu.memory_space<hbm>>
      tpu.wait_dma2 semaphore(%run_scoped3A_115 : memref<!tpu.dma_semaphore, #tpu.memory_space<semaphore_mem>>) src(%dma_wait3A_125 : memref<16x512xf32, #tpu.memory_space<hbm>>) dst(%arg6 : memref<16x512xf32, #tpu.memory_space<vmem>>)
      tpu.yield
    }) : () -> ()
    %scan3A_86 = arith.constant 0 : i32
    %scan3A_87 = arith.constant 16 : i32
    %scan3A_88 = arith.addi %scan3A_86, %scan3A_87 : i32
    %scan3A_89 = arith.constant 1 : i32
    %scan3A_90 = scf.for %scan3A_115 = %scan3A_86 to %scan3A_88 step %scan3A_89 iter_args(%scan3A_116 = %scan3A_80) -> (vector<16xf32>)  : i32 {
      %scan3A_117 = arith.constant 0 : i32
      %scan3A_118 = arith.constant 32 : i32
      %scan3A_119 = arith.addi %scan3A_117, %scan3A_118 : i32
      %scan3A_120 = arith.constant 1 : i32
      %scan3A_121 = scf.for %scan3A_123 = %scan3A_117 to %scan3A_119 step %scan3A_120 iter_args(%scan3A_124 = %scan3A_116) -> (vector<16xf32>)  : i32 {
        %mul3A_125 = arith.constant 16 : i32
        %mul3A_126 = arith.muli %scan3A_123, %mul3A_125 : i32
        %get3A = arith.index_cast %scan3A_115 : i32 to index
        %get3A_127 = arith.index_cast %mul3A_126 : i32 to index
        %get3A_128 = tpu.vector_load %arg5[%get3A, %get3A_127] {strides = array<i32>} : memref<16x512xf32, #tpu.memory_space<vmem>>, vector<1x16xf32>,
        %get3A_129 = vector.shape_cast %get3A_128 : vector<1x16xf32> to vector<16xf32>
        %mul3A_130 = arith.constant 16 : i32
        %mul3A_131 = arith.muli %scan3A_123, %mul3A_130 : i32
        %get3A_132 = arith.index_cast %scan3A_115 : i32 to index
        %get3A_133 = arith.index_cast %mul3A_131 : i32 to index
        %get3A_134 = tpu.vector_load %arg6[%get3A_132, %get3A_133] {strides = array<i32>} : memref<16x512xf32, #tpu.memory_space<vmem>>, vector<1x16xf32>,
        %get3A_135 = vector.shape_cast %get3A_134 : vector<1x16xf32> to vector<16xf32>
        %abs3A = math.absf %get3A_129 : vector<16xf32>
        %neg3A = arith.constant 0.000000e+00 : f32
        %neg3A_136 = vector.broadcast %neg3A : f32 to vector<16xf32>
        %neg3A_137 = arith.subf %neg3A_136, %abs3A : vector<16xf32>
        %exp3A = math.exp %neg3A_137 : vector<16xf32>
        %add3A_138 = arith.constant 2.000000e+00 : f32
        %add3A_139 = vector.broadcast %add3A_138 : f32 to vector<16xf32>
        %add3A_140 = arith.addf %add3A_139, %exp3A : vector<16xf32>
        %div3A_141 = arith.divf %exp3A, %add3A_140 : vector<16xf32>
        %mul3A_142 = arith.mulf %div3A_141, %div3A_141 : vector<16xf32>
        %mul3A_143 = arith.constant 0.222222224 : f32
        %mul3A_144 = vector.broadcast %mul3A_143 : f32 to vector<16xf32>
        %mul3A_145 = arith.mulf %mul3A_142, %mul3A_144 : vector<16xf32>
        %add3A_146 = arith.constant 0.285714298 : f32
        %add3A_147 = vector.broadcast %add3A_146 : f32 to vector<16xf32>
        %add3A_148 = arith.addf %add3A_147, %mul3A_145 : vector<16xf32>
        %mul3A_149 = arith.mulf %mul3A_142, %add3A_148 : vector<16xf32>
        %add3A_150 = arith.constant 4.000000e-01 : f32
        %add3A_151 = vector.broadcast %add3A_150 : f32 to vector<16xf32>
        %add3A_152 = arith.addf %add3A_151, %mul3A_149 : vector<16xf32>
        %mul3A_153 = arith.mulf %mul3A_142, %add3A_152 : vector<16xf32>
        %add3A_154 = arith.constant 0.666666686 : f32
        %add3A_155 = vector.broadcast %add3A_154 : f32 to vector<16xf32>
        %add3A_156 = arith.addf %add3A_155, %mul3A_153 : vector<16xf32>
        %mul3A_157 = arith.mulf %mul3A_142, %add3A_156 : vector<16xf32>
        %add3A_158 = arith.constant 2.000000e+00 : f32
        %add3A_159 = vector.broadcast %add3A_158 : f32 to vector<16xf32>
        %add3A_160 = arith.addf %add3A_159, %mul3A_157 : vector<16xf32>
        %mul3A_161 = arith.mulf %div3A_141, %add3A_160 : vector<16xf32>
        %max3A = arith.constant 0.000000e+00 : f32
        %max3A_162 = vector.broadcast %max3A : f32 to vector<16xf32>
        %max3A_163 = arith.maximumf %get3A_129, %max3A_162 : vector<16xf32>
        %ge3A = arith.constant 5.000000e-01 : f32
        %ge3A_164 = vector.broadcast %ge3A : f32 to vector<16xf32>
        %ge3A_165 = arith.cmpf oge, %get3A_135, %ge3A_164 : vector<16xf32>
        %jit3A_166 = arith.constant 0.000000e+00 : f32
        %broadcast_in_dim3A_167 = vector.broadcast %jit3A_166 : f32 to vector<16xf32>
        %select_n3A_168 = arith.select %ge3A_165, %get3A_129, %broadcast_in_dim3A_167 : vector<16xi1>, vector<16xf32>
        %sub3A_169 = arith.subf %max3A_163, %select_n3A_168 : vector<16xf32>
        %add3A_170 = arith.addf %sub3A_169, %mul3A_161 : vector<16xf32>
        %add3A_171 = arith.addf %scan3A_124, %add3A_170 : vector<16xf32>
        scf.yield %add3A_171 : vector<16xf32>
      }
      %scan3A_122 = arith.constant 32 : i32
      scf.yield %scan3A_121 : vector<16xf32>
    }
    %scan3A_91 = arith.constant 16 : i32
    %add3A_92 = arith.constant 96 : i32
    %add3A_93 = arith.addi %mul3A_32, %add3A_92 : i32
    %run_scoped3A_94 = arith.constant 0 : i32
    "tpu.region"() ({
      %run_scoped3A_115 = tpu.sem_alloc : memref<!tpu.dma_semaphore, #tpu.memory_space<semaphore_mem>>
      %dma_start3A = arith.constant 0 : i32
      %dma_start3A_116 = tpu.memref_slice %arg2[%select_n3A, %run_scoped3A_94, %add3A_93, %dma_start3A] : memref<8x1x512x512xf32, #tpu.memory_space<hbm>> -> memref<1x1x16x512xf32, #tpu.memory_space<hbm>>
      %dma_start3A_117 = tpu.memref_squeeze %dma_start3A_116 : memref<1x1x16x512xf32, #tpu.memory_space<hbm>> -> memref<16x512xf32, #tpu.memory_space<hbm>>
      %dma_start3A_118 = arith.constant 0 : i32
      %dma_start3A_119 = tpu.memref_slice %arg2[%select_n3A, %run_scoped3A_94, %add3A_93, %dma_start3A_118] : memref<8x1x512x512xf32, #tpu.memory_space<hbm>> -> memref<1x1x16x512xf32, #tpu.memory_space<hbm>>
      %dma_start3A_120 = tpu.memref_squeeze %dma_start3A_119 : memref<1x1x16x512xf32, #tpu.memory_space<hbm>> -> memref<16x512xf32, #tpu.memory_space<hbm>>
      tpu.enqueue_dma source(%dma_start3A_120 : memref<16x512xf32, #tpu.memory_space<hbm>>) target(%arg5 : memref<16x512xf32, #tpu.memory_space<vmem>>) target_semaphore(%run_scoped3A_115 : memref<!tpu.dma_semaphore, #tpu.memory_space<semaphore_mem>>)
      %dma_wait3A = arith.constant 0 : i32
      %dma_wait3A_121 = tpu.memref_slice %arg2[%select_n3A, %run_scoped3A_94, %add3A_93, %dma_wait3A] : memref<8x1x512x512xf32, #tpu.memory_space<hbm>> -> memref<1x1x16x512xf32, #tpu.memory_space<hbm>>
      %dma_wait3A_122 = tpu.memref_squeeze %dma_wait3A_121 : memref<1x1x16x512xf32, #tpu.memory_space<hbm>> -> memref<16x512xf32, #tpu.memory_space<hbm>>
      %dma_wait3A_123 = arith.constant 0 : i32
      %dma_wait3A_124 = tpu.memref_slice %arg2[%select_n3A, %run_scoped3A_94, %add3A_93, %dma_wait3A_123] : memref<8x1x512x512xf32, #tpu.memory_space<hbm>> -> memref<1x1x16x512xf32, #tpu.memory_space<hbm>>
      %dma_wait3A_125 = tpu.memref_squeeze %dma_wait3A_124 : memref<1x1x16x512xf32, #tpu.memory_space<hbm>> -> memref<16x512xf32, #tpu.memory_space<hbm>>
      tpu.wait_dma2 semaphore(%run_scoped3A_115 : memref<!tpu.dma_semaphore, #tpu.memory_space<semaphore_mem>>) src(%dma_wait3A_125 : memref<16x512xf32, #tpu.memory_space<hbm>>) dst(%arg5 : memref<16x512xf32, #tpu.memory_space<vmem>>)
      tpu.yield
    }) : () -> ()
    %run_scoped3A_95 = arith.constant 0 : i32
    "tpu.region"() ({
      %run_scoped3A_115 = tpu.sem_alloc : memref<!tpu.dma_semaphore, #tpu.memory_space<semaphore_mem>>
      %dma_start3A = arith.constant 0 : i32
      %dma_start3A_116 = tpu.memref_slice %arg3[%select_n3A, %run_scoped3A_95, %add3A_93, %dma_start3A] : memref<8x1x512x512xf32, #tpu.memory_space<hbm>> -> memref<1x1x16x512xf32, #tpu.memory_space<hbm>>
      %dma_start3A_117 = tpu.memref_squeeze %dma_start3A_116 : memref<1x1x16x512xf32, #tpu.memory_space<hbm>> -> memref<16x512xf32, #tpu.memory_space<hbm>>
      %dma_start3A_118 = arith.constant 0 : i32
      %dma_start3A_119 = tpu.memref_slice %arg3[%select_n3A, %run_scoped3A_95, %add3A_93, %dma_start3A_118] : memref<8x1x512x512xf32, #tpu.memory_space<hbm>> -> memref<1x1x16x512xf32, #tpu.memory_space<hbm>>
      %dma_start3A_120 = tpu.memref_squeeze %dma_start3A_119 : memref<1x1x16x512xf32, #tpu.memory_space<hbm>> -> memref<16x512xf32, #tpu.memory_space<hbm>>
      tpu.enqueue_dma source(%dma_start3A_120 : memref<16x512xf32, #tpu.memory_space<hbm>>) target(%arg6 : memref<16x512xf32, #tpu.memory_space<vmem>>) target_semaphore(%run_scoped3A_115 : memref<!tpu.dma_semaphore, #tpu.memory_space<semaphore_mem>>)
      %dma_wait3A = arith.constant 0 : i32
      %dma_wait3A_121 = tpu.memref_slice %arg3[%select_n3A, %run_scoped3A_95, %add3A_93, %dma_wait3A] : memref<8x1x512x512xf32, #tpu.memory_space<hbm>> -> memref<1x1x16x512xf32, #tpu.memory_space<hbm>>
      %dma_wait3A_122 = tpu.memref_squeeze %dma_wait3A_121 : memref<1x1x16x512xf32, #tpu.memory_space<hbm>> -> memref<16x512xf32, #tpu.memory_space<hbm>>
      %dma_wait3A_123 = arith.constant 0 : i32
      %dma_wait3A_124 = tpu.memref_slice %arg3[%select_n3A, %run_scoped3A_95, %add3A_93, %dma_wait3A_123] : memref<8x1x512x512xf32, #tpu.memory_space<hbm>> -> memref<1x1x16x512xf32, #tpu.memory_space<hbm>>
      %dma_wait3A_125 = tpu.memref_squeeze %dma_wait3A_124 : memref<1x1x16x512xf32, #tpu.memory_space<hbm>> -> memref<16x512xf32, #tpu.memory_space<hbm>>
      tpu.wait_dma2 semaphore(%run_scoped3A_115 : memref<!tpu.dma_semaphore, #tpu.memory_space<semaphore_mem>>) src(%dma_wait3A_125 : memref<16x512xf32, #tpu.memory_space<hbm>>) dst(%arg6 : memref<16x512xf32, #tpu.memory_space<vmem>>)
      tpu.yield
    }) : () -> ()
    %scan3A_96 = arith.constant 0 : i32
    %scan3A_97 = arith.constant 16 : i32
    %scan3A_98 = arith.addi %scan3A_96, %scan3A_97 : i32
    %scan3A_99 = arith.constant 1 : i32
    %scan3A_100 = scf.for %scan3A_115 = %scan3A_96 to %scan3A_98 step %scan3A_99 iter_args(%scan3A_116 = %scan3A_90) -> (vector<16xf32>)  : i32 {
      %scan3A_117 = arith.constant 0 : i32
      %scan3A_118 = arith.constant 32 : i32
      %scan3A_119 = arith.addi %scan3A_117, %scan3A_118 : i32
      %scan3A_120 = arith.constant 1 : i32
      %scan3A_121 = scf.for %scan3A_123 = %scan3A_117 to %scan3A_119 step %scan3A_120 iter_args(%scan3A_124 = %scan3A_116) -> (vector<16xf32>)  : i32 {
        %mul3A_125 = arith.constant 16 : i32
        %mul3A_126 = arith.muli %scan3A_123, %mul3A_125 : i32
        %get3A = arith.index_cast %scan3A_115 : i32 to index
        %get3A_127 = arith.index_cast %mul3A_126 : i32 to index
        %get3A_128 = tpu.vector_load %arg5[%get3A, %get3A_127] {strides = array<i32>} : memref<16x512xf32, #tpu.memory_space<vmem>>, vector<1x16xf32>,
        %get3A_129 = vector.shape_cast %get3A_128 : vector<1x16xf32> to vector<16xf32>
        %mul3A_130 = arith.constant 16 : i32
        %mul3A_131 = arith.muli %scan3A_123, %mul3A_130 : i32
        %get3A_132 = arith.index_cast %scan3A_115 : i32 to index
        %get3A_133 = arith.index_cast %mul3A_131 : i32 to index
        %get3A_134 = tpu.vector_load %arg6[%get3A_132, %get3A_133] {strides = array<i32>} : memref<16x512xf32, #tpu.memory_space<vmem>>, vector<1x16xf32>,
        %get3A_135 = vector.shape_cast %get3A_134 : vector<1x16xf32> to vector<16xf32>
        %abs3A = math.absf %get3A_129 : vector<16xf32>
        %neg3A = arith.constant 0.000000e+00 : f32
        %neg3A_136 = vector.broadcast %neg3A : f32 to vector<16xf32>
        %neg3A_137 = arith.subf %neg3A_136, %abs3A : vector<16xf32>
        %exp3A = math.exp %neg3A_137 : vector<16xf32>
        %add3A_138 = arith.constant 2.000000e+00 : f32
        %add3A_139 = vector.broadcast %add3A_138 : f32 to vector<16xf32>
        %add3A_140 = arith.addf %add3A_139, %exp3A : vector<16xf32>
        %div3A_141 = arith.divf %exp3A, %add3A_140 : vector<16xf32>
        %mul3A_142 = arith.mulf %div3A_141, %div3A_141 : vector<16xf32>
        %mul3A_143 = arith.constant 0.222222224 : f32
        %mul3A_144 = vector.broadcast %mul3A_143 : f32 to vector<16xf32>
        %mul3A_145 = arith.mulf %mul3A_142, %mul3A_144 : vector<16xf32>
        %add3A_146 = arith.constant 0.285714298 : f32
        %add3A_147 = vector.broadcast %add3A_146 : f32 to vector<16xf32>
        %add3A_148 = arith.addf %add3A_147, %mul3A_145 : vector<16xf32>
        %mul3A_149 = arith.mulf %mul3A_142, %add3A_148 : vector<16xf32>
        %add3A_150 = arith.constant 4.000000e-01 : f32
        %add3A_151 = vector.broadcast %add3A_150 : f32 to vector<16xf32>
        %add3A_152 = arith.addf %add3A_151, %mul3A_149 : vector<16xf32>
        %mul3A_153 = arith.mulf %mul3A_142, %add3A_152 : vector<16xf32>
        %add3A_154 = arith.constant 0.666666686 : f32
        %add3A_155 = vector.broadcast %add3A_154 : f32 to vector<16xf32>
        %add3A_156 = arith.addf %add3A_155, %mul3A_153 : vector<16xf32>
        %mul3A_157 = arith.mulf %mul3A_142, %add3A_156 : vector<16xf32>
        %add3A_158 = arith.constant 2.000000e+00 : f32
        %add3A_159 = vector.broadcast %add3A_158 : f32 to vector<16xf32>
        %add3A_160 = arith.addf %add3A_159, %mul3A_157 : vector<16xf32>
        %mul3A_161 = arith.mulf %div3A_141, %add3A_160 : vector<16xf32>
        %max3A = arith.constant 0.000000e+00 : f32
        %max3A_162 = vector.broadcast %max3A : f32 to vector<16xf32>
        %max3A_163 = arith.maximumf %get3A_129, %max3A_162 : vector<16xf32>
        %ge3A = arith.constant 5.000000e-01 : f32
        %ge3A_164 = vector.broadcast %ge3A : f32 to vector<16xf32>
        %ge3A_165 = arith.cmpf oge, %get3A_135, %ge3A_164 : vector<16xf32>
        %jit3A_166 = arith.constant 0.000000e+00 : f32
        %broadcast_in_dim3A_167 = vector.broadcast %jit3A_166 : f32 to vector<16xf32>
        %select_n3A_168 = arith.select %ge3A_165, %get3A_129, %broadcast_in_dim3A_167 : vector<16xi1>, vector<16xf32>
        %sub3A_169 = arith.subf %max3A_163, %select_n3A_168 : vector<16xf32>
        %add3A_170 = arith.addf %sub3A_169, %mul3A_161 : vector<16xf32>
        %add3A_171 = arith.addf %scan3A_124, %add3A_170 : vector<16xf32>
        scf.yield %add3A_171 : vector<16xf32>
      }
      %scan3A_122 = arith.constant 32 : i32
      scf.yield %scan3A_121 : vector<16xf32>
    }
    %scan3A_101 = arith.constant 16 : i32
    %add3A_102 = arith.constant 112 : i32
    %add3A_103 = arith.addi %mul3A_32, %add3A_102 : i32
    %run_scoped3A_104 = arith.constant 0 : i32
    "tpu.region"() ({
      %run_scoped3A_115 = tpu.sem_alloc : memref<!tpu.dma_semaphore, #tpu.memory_space<semaphore_mem>>
      %dma_start3A = arith.constant 0 : i32
      %dma_start3A_116 = tpu.memref_slice %arg2[%select_n3A, %run_scoped3A_104, %add3A_103, %dma_start3A] : memref<8x1x512x512xf32, #tpu.memory_space<hbm>> -> memref<1x1x16x512xf32, #tpu.memory_space<hbm>>
      %dma_start3A_117 = tpu.memref_squeeze %dma_start3A_116 : memref<1x1x16x512xf32, #tpu.memory_space<hbm>> -> memref<16x512xf32, #tpu.memory_space<hbm>>
      %dma_start3A_118 = arith.constant 0 : i32
      %dma_start3A_119 = tpu.memref_slice %arg2[%select_n3A, %run_scoped3A_104, %add3A_103, %dma_start3A_118] : memref<8x1x512x512xf32, #tpu.memory_space<hbm>> -> memref<1x1x16x512xf32, #tpu.memory_space<hbm>>
      %dma_start3A_120 = tpu.memref_squeeze %dma_start3A_119 : memref<1x1x16x512xf32, #tpu.memory_space<hbm>> -> memref<16x512xf32, #tpu.memory_space<hbm>>
      tpu.enqueue_dma source(%dma_start3A_120 : memref<16x512xf32, #tpu.memory_space<hbm>>) target(%arg5 : memref<16x512xf32, #tpu.memory_space<vmem>>) target_semaphore(%run_scoped3A_115 : memref<!tpu.dma_semaphore, #tpu.memory_space<semaphore_mem>>)
      %dma_wait3A = arith.constant 0 : i32
      %dma_wait3A_121 = tpu.memref_slice %arg2[%select_n3A, %run_scoped3A_104, %add3A_103, %dma_wait3A] : memref<8x1x512x512xf32, #tpu.memory_space<hbm>> -> memref<1x1x16x512xf32, #tpu.memory_space<hbm>>
      %dma_wait3A_122 = tpu.memref_squeeze %dma_wait3A_121 : memref<1x1x16x512xf32, #tpu.memory_space<hbm>> -> memref<16x512xf32, #tpu.memory_space<hbm>>
      %dma_wait3A_123 = arith.constant 0 : i32
      %dma_wait3A_124 = tpu.memref_slice %arg2[%select_n3A, %run_scoped3A_104, %add3A_103, %dma_wait3A_123] : memref<8x1x512x512xf32, #tpu.memory_space<hbm>> -> memref<1x1x16x512xf32, #tpu.memory_space<hbm>>
      %dma_wait3A_125 = tpu.memref_squeeze %dma_wait3A_124 : memref<1x1x16x512xf32, #tpu.memory_space<hbm>> -> memref<16x512xf32, #tpu.memory_space<hbm>>
      tpu.wait_dma2 semaphore(%run_scoped3A_115 : memref<!tpu.dma_semaphore, #tpu.memory_space<semaphore_mem>>) src(%dma_wait3A_125 : memref<16x512xf32, #tpu.memory_space<hbm>>) dst(%arg5 : memref<16x512xf32, #tpu.memory_space<vmem>>)
      tpu.yield
    }) : () -> ()
    %run_scoped3A_105 = arith.constant 0 : i32
    "tpu.region"() ({
      %run_scoped3A_115 = tpu.sem_alloc : memref<!tpu.dma_semaphore, #tpu.memory_space<semaphore_mem>>
      %dma_start3A = arith.constant 0 : i32
      %dma_start3A_116 = tpu.memref_slice %arg3[%select_n3A, %run_scoped3A_105, %add3A_103, %dma_start3A] : memref<8x1x512x512xf32, #tpu.memory_space<hbm>> -> memref<1x1x16x512xf32, #tpu.memory_space<hbm>>
      %dma_start3A_117 = tpu.memref_squeeze %dma_start3A_116 : memref<1x1x16x512xf32, #tpu.memory_space<hbm>> -> memref<16x512xf32, #tpu.memory_space<hbm>>
      %dma_start3A_118 = arith.constant 0 : i32
      %dma_start3A_119 = tpu.memref_slice %arg3[%select_n3A, %run_scoped3A_105, %add3A_103, %dma_start3A_118] : memref<8x1x512x512xf32, #tpu.memory_space<hbm>> -> memref<1x1x16x512xf32, #tpu.memory_space<hbm>>
      %dma_start3A_120 = tpu.memref_squeeze %dma_start3A_119 : memref<1x1x16x512xf32, #tpu.memory_space<hbm>> -> memref<16x512xf32, #tpu.memory_space<hbm>>
      tpu.enqueue_dma source(%dma_start3A_120 : memref<16x512xf32, #tpu.memory_space<hbm>>) target(%arg6 : memref<16x512xf32, #tpu.memory_space<vmem>>) target_semaphore(%run_scoped3A_115 : memref<!tpu.dma_semaphore, #tpu.memory_space<semaphore_mem>>)
      %dma_wait3A = arith.constant 0 : i32
      %dma_wait3A_121 = tpu.memref_slice %arg3[%select_n3A, %run_scoped3A_105, %add3A_103, %dma_wait3A] : memref<8x1x512x512xf32, #tpu.memory_space<hbm>> -> memref<1x1x16x512xf32, #tpu.memory_space<hbm>>
      %dma_wait3A_122 = tpu.memref_squeeze %dma_wait3A_121 : memref<1x1x16x512xf32, #tpu.memory_space<hbm>> -> memref<16x512xf32, #tpu.memory_space<hbm>>
      %dma_wait3A_123 = arith.constant 0 : i32
      %dma_wait3A_124 = tpu.memref_slice %arg3[%select_n3A, %run_scoped3A_105, %add3A_103, %dma_wait3A_123] : memref<8x1x512x512xf32, #tpu.memory_space<hbm>> -> memref<1x1x16x512xf32, #tpu.memory_space<hbm>>
      %dma_wait3A_125 = tpu.memref_squeeze %dma_wait3A_124 : memref<1x1x16x512xf32, #tpu.memory_space<hbm>> -> memref<16x512xf32, #tpu.memory_space<hbm>>
      tpu.wait_dma2 semaphore(%run_scoped3A_115 : memref<!tpu.dma_semaphore, #tpu.memory_space<semaphore_mem>>) src(%dma_wait3A_125 : memref<16x512xf32, #tpu.memory_space<hbm>>) dst(%arg6 : memref<16x512xf32, #tpu.memory_space<vmem>>)
      tpu.yield
    }) : () -> ()
    %scan3A_106 = arith.constant 0 : i32
    %scan3A_107 = arith.constant 16 : i32
    %scan3A_108 = arith.addi %scan3A_106, %scan3A_107 : i32
    %scan3A_109 = arith.constant 1 : i32
    %scan3A_110 = scf.for %scan3A_115 = %scan3A_106 to %scan3A_108 step %scan3A_109 iter_args(%scan3A_116 = %scan3A_100) -> (vector<16xf32>)  : i32 {
      %scan3A_117 = arith.constant 0 : i32
      %scan3A_118 = arith.constant 32 : i32
      %scan3A_119 = arith.addi %scan3A_117, %scan3A_118 : i32
      %scan3A_120 = arith.constant 1 : i32
      %scan3A_121 = scf.for %scan3A_123 = %scan3A_117 to %scan3A_119 step %scan3A_120 iter_args(%scan3A_124 = %scan3A_116) -> (vector<16xf32>)  : i32 {
        %mul3A_125 = arith.constant 16 : i32
        %mul3A_126 = arith.muli %scan3A_123, %mul3A_125 : i32
        %get3A = arith.index_cast %scan3A_115 : i32 to index
        %get3A_127 = arith.index_cast %mul3A_126 : i32 to index
        %get3A_128 = tpu.vector_load %arg5[%get3A, %get3A_127] {strides = array<i32>} : memref<16x512xf32, #tpu.memory_space<vmem>>, vector<1x16xf32>,
        %get3A_129 = vector.shape_cast %get3A_128 : vector<1x16xf32> to vector<16xf32>
        %mul3A_130 = arith.constant 16 : i32
        %mul3A_131 = arith.muli %scan3A_123, %mul3A_130 : i32
        %get3A_132 = arith.index_cast %scan3A_115 : i32 to index
        %get3A_133 = arith.index_cast %mul3A_131 : i32 to index
        %get3A_134 = tpu.vector_load %arg6[%get3A_132, %get3A_133] {strides = array<i32>} : memref<16x512xf32, #tpu.memory_space<vmem>>, vector<1x16xf32>,
        %get3A_135 = vector.shape_cast %get3A_134 : vector<1x16xf32> to vector<16xf32>
        %abs3A = math.absf %get3A_129 : vector<16xf32>
        %neg3A = arith.constant 0.000000e+00 : f32
        %neg3A_136 = vector.broadcast %neg3A : f32 to vector<16xf32>
        %neg3A_137 = arith.subf %neg3A_136, %abs3A : vector<16xf32>
        %exp3A = math.exp %neg3A_137 : vector<16xf32>
        %add3A_138 = arith.constant 2.000000e+00 : f32
        %add3A_139 = vector.broadcast %add3A_138 : f32 to vector<16xf32>
        %add3A_140 = arith.addf %add3A_139, %exp3A : vector<16xf32>
        %div3A_141 = arith.divf %exp3A, %add3A_140 : vector<16xf32>
        %mul3A_142 = arith.mulf %div3A_141, %div3A_141 : vector<16xf32>
        %mul3A_143 = arith.constant 0.222222224 : f32
        %mul3A_144 = vector.broadcast %mul3A_143 : f32 to vector<16xf32>
        %mul3A_145 = arith.mulf %mul3A_142, %mul3A_144 : vector<16xf32>
        %add3A_146 = arith.constant 0.285714298 : f32
        %add3A_147 = vector.broadcast %add3A_146 : f32 to vector<16xf32>
        %add3A_148 = arith.addf %add3A_147, %mul3A_145 : vector<16xf32>
        %mul3A_149 = arith.mulf %mul3A_142, %add3A_148 : vector<16xf32>
        %add3A_150 = arith.constant 4.000000e-01 : f32
        %add3A_151 = vector.broadcast %add3A_150 : f32 to vector<16xf32>
        %add3A_152 = arith.addf %add3A_151, %mul3A_149 : vector<16xf32>
        %mul3A_153 = arith.mulf %mul3A_142, %add3A_152 : vector<16xf32>
        %add3A_154 = arith.constant 0.666666686 : f32
        %add3A_155 = vector.broadcast %add3A_154 : f32 to vector<16xf32>
        %add3A_156 = arith.addf %add3A_155, %mul3A_153 : vector<16xf32>
        %mul3A_157 = arith.mulf %mul3A_142, %add3A_156 : vector<16xf32>
        %add3A_158 = arith.constant 2.000000e+00 : f32
        %add3A_159 = vector.broadcast %add3A_158 : f32 to vector<16xf32>
        %add3A_160 = arith.addf %add3A_159, %mul3A_157 : vector<16xf32>
        %mul3A_161 = arith.mulf %div3A_141, %add3A_160 : vector<16xf32>
        %max3A = arith.constant 0.000000e+00 : f32
        %max3A_162 = vector.broadcast %max3A : f32 to vector<16xf32>
        %max3A_163 = arith.maximumf %get3A_129, %max3A_162 : vector<16xf32>
        %ge3A = arith.constant 5.000000e-01 : f32
        %ge3A_164 = vector.broadcast %ge3A : f32 to vector<16xf32>
        %ge3A_165 = arith.cmpf oge, %get3A_135, %ge3A_164 : vector<16xf32>
        %jit3A_166 = arith.constant 0.000000e+00 : f32
        %broadcast_in_dim3A_167 = vector.broadcast %jit3A_166 : f32 to vector<16xf32>
        %select_n3A_168 = arith.select %ge3A_165, %get3A_129, %broadcast_in_dim3A_167 : vector<16xi1>, vector<16xf32>
        %sub3A_169 = arith.subf %max3A_163, %select_n3A_168 : vector<16xf32>
        %add3A_170 = arith.addf %sub3A_169, %mul3A_161 : vector<16xf32>
        %add3A_171 = arith.addf %scan3A_124, %add3A_170 : vector<16xf32>
        scf.yield %add3A_171 : vector<16xf32>
      }
      %scan3A_122 = arith.constant 32 : i32
      scf.yield %scan3A_121 : vector<16xf32>
    }
    %scan3A_111 = arith.constant 16 : i32
    %swap3A = arith.constant 0 : index
    %swap3A_112 = tpu.vector_load %arg7[%swap3A] {strides = array<i32>} : memref<16xf32, #tpu.memory_space<vmem>>, vector<16xf32>,
    %swap3A_113 = vector.shape_cast %swap3A_112 : vector<16xf32> to vector<16xf32>
    %swap3A_114 = vector.shape_cast %scan3A_110 : vector<16xf32> to vector<16xf32>
    tpu.vector_store %arg7[%swap3A], %swap3A_114 {strides = array<i32>} : memref<16xf32, #tpu.memory_space<vmem>>, vector<16xf32>,
    "tpu.region"() ({
      %run_scoped3A_115 = tpu.sem_alloc : memref<!tpu.dma_semaphore, #tpu.memory_space<semaphore_mem>>
      %dma_start3A = arith.constant 0 : i32
      %dma_start3A_116 = tpu.memref_slice %arg4[%add3A, %dma_start3A] : memref<32x16xf32, #tpu.memory_space<hbm>> -> memref<1x16xf32, #tpu.memory_space<hbm>>
      %dma_start3A_117 = tpu.memref_squeeze %dma_start3A_116 : memref<1x16xf32, #tpu.memory_space<hbm>> -> memref<16xf32, #tpu.memory_space<hbm>>
      %dma_start3A_118 = arith.constant 0 : i32
      %dma_start3A_119 = tpu.memref_slice %arg4[%add3A, %dma_start3A_118] : memref<32x16xf32, #tpu.memory_space<hbm>> -> memref<1x16xf32, #tpu.memory_space<hbm>>
      %dma_start3A_120 = tpu.memref_squeeze %dma_start3A_119 : memref<1x16xf32, #tpu.memory_space<hbm>> -> memref<16xf32, #tpu.memory_space<hbm>>
      tpu.enqueue_dma source(%arg7 : memref<16xf32, #tpu.memory_space<vmem>>) target(%dma_start3A_120 : memref<16xf32, #tpu.memory_space<hbm>>) target_semaphore(%run_scoped3A_115 : memref<!tpu.dma_semaphore, #tpu.memory_space<semaphore_mem>>)
      %dma_wait3A = arith.constant 0 : i32
      %dma_wait3A_121 = tpu.memref_slice %arg4[%add3A, %dma_wait3A] : memref<32x16xf32, #tpu.memory_space<hbm>> -> memref<1x16xf32, #tpu.memory_space<hbm>>
      %dma_wait3A_122 = tpu.memref_squeeze %dma_wait3A_121 : memref<1x16xf32, #tpu.memory_space<hbm>> -> memref<16xf32, #tpu.memory_space<hbm>>
      %dma_wait3A_123 = arith.constant 0 : i32
      %dma_wait3A_124 = tpu.memref_slice %arg4[%add3A, %dma_wait3A_123] : memref<32x16xf32, #tpu.memory_space<hbm>> -> memref<1x16xf32, #tpu.memory_space<hbm>>
      %dma_wait3A_125 = tpu.memref_squeeze %dma_wait3A_124 : memref<1x16xf32, #tpu.memory_space<hbm>> -> memref<16xf32, #tpu.memory_space<hbm>>
      tpu.wait_dma2 semaphore(%run_scoped3A_115 : memref<!tpu.dma_semaphore, #tpu.memory_space<semaphore_mem>>) src(%arg7 : memref<16xf32, #tpu.memory_space<vmem>>) dst(%dma_wait3A_125 : memref<16xf32, #tpu.memory_space<hbm>>)
      tpu.yield
    }) : () -> ()
    return
  }
}

</mosaic_0001>

<sc_bundles>
// kernel: _sc_partials.3.cloned.1.call-start
scs
__scs_entry_jumppad:
0x0: {  	(pc) =	sbr.rel $0x88, $3  }
0x1: {  	(tag) =	ssettag $0x0;
	lr =	simm.s32 $0x1  }
0x2: {  	[smem:$0x3F9F] =	sst lr;
	_ =	strace $0xD0000000  }
0x3: {  	_ = 	snop  }
0x4: {  	_ = 	snop  }
0x5: {  	_ = 	snop  }
0x6: {  	_ = 	snop  }
0x7: {  	_ = 	snop  }
__scs_overlays_trampoline_lowered:
0x8: {  	[smem:$0x3FAE] =	sst s0  }
0x9: {  	[smem:$0x3FAF] =	sst s1  }
0xa: {  	[smem:$0x3FB0] =	sst s2  }
0xb: {  	[smem:$0x3FB1] =	sst s3  }
0xc: {  	[smem:$0x3FB2] =	sst s4  }
0xd: {  	[smem:$0x3FB3] =	sst s5  }
0xe: {  	[smem:$0x3FB4] =	sst s6  }
0xf: {  	[smem:$0x3FB5] =	sst s7  }
0x10: {  	[smem:$0x3FB6] =	sst s8  }
0x11: {  	[smem:$0x3FB7] =	sst s9;
	s0 =	simm.s32 @!p0 $0x0  }
0x12: {  	s1 =	sld [smem:$0x3F9D];
	s0 =	simm.s32 @p0 $0x1  }
0x13: {  	[smem:$0x3FB8] =	sst s0;
	s0 =	simm.s32 @!p1 $0x0  }
0x14: {  	s2 =	sld [smem:$0x3F9C];
	s0 =	simm.s32 @p1 $0x1  }
0x15: {  	[smem:$0x3FB9] =	sst s0;
	s0 =	simm.s32 @!p2 $0x0  }
0x16: {  	s3 =	sld [smem:$0x3FDB];
	s0 =	simm.s32 @p2 $0x1  }
0x17: {  	s4 =	simm.s32 $0x1BF5;
	[smem:$0x3FBB] =	sst s0  }
0x18: {  	s0 =	sld [smem:$0x3F9E];
	_ =	swait.ge [sflag:s4], $0x0  }
0x19: {  	s7 =	sld [smem:$0x3F9F]  }
0x1a: {  	s8 =	sadd.s32 $0xFFFFE003, lr  }
0x1b: {  	s9 =	sadd.s32 $0xFFFFFEF7, lr;
	s5 =	simm.s32 $0xFFFFFFFF;
	p2 =	slt.u32 s8, $0xFFFFF086  }
0x1c: {  	p1 =	slt.u32 s9, $0xF7A;
	s5 =	simm.s32 @!p2 $0x0  }
0x1d: {  	s5 =	simm.s32 @p1 $0x1;
	p0 =	seq.s32 s7, s2  }
0x1e: {  	s7 =	smul.u32 @!p0 $0xF7A, s2;
	p2 =	seq.s32 @!p0 s5, $0x0  }
0x1f: {  	s9 =	smul.u32 $0xF7A, s1;
	s8 =	simm.s32 @!p0 $0x1BF5;
	p2 =	por !p2, p0  }
0x20: {  	[sflag:s8] =	ssyncset.s32 @!p0 $0xFFFFF086;
	s6 =	sadd.s32 @!p0 s3, s7;
	s7 =	simm.s32 @!p0 $0x108  }
0x21: {  	s3 =	sadd.s32 s3, s9;
	s6 =	sadd.s32 @!p0 $0x88, s6;
	s7 =	simm.s32 @p2 $0x1082  }
0x22: {  	[simem:s7], [sflag:s8] =	dma.local @!p0 [hbm:s6], $0xF7A  }
0x23: {  	s9 =	sor.u32 $0xD0000000, s2;
	s6 =	simm.s32 $0x108;
	_ =	swait.ge @!p0 [sflag:s8], $0x0  }
0x24: {  	s3 =	sadd.s32 $0x88, s3;
	s6 =	simm.s32 @!p1 $0x1082;
	[sflag:s4] =	ssyncset.s32 $0xFFFFF086  }
0x25: {  	[simem:s6], [sflag:s4] =	dma.local [hbm:s3], $0xF7A  }
0x26: {  	[smem:$0x3F9F] =	sst s1;
	(tag) =	ssettag s2;
	_ =	strace s9  }
0x27: {  	s1 =	sld [smem:$0x3FAF]  }
0x28: {  	s2 =	sld [smem:$0x3FB0]  }
0x29: {  	s4 =	sld [smem:$0x3FB2]  }
0x2a: {  	p0 =	seq.s32 s5, $0x0;
	s5 =	sld [smem:$0x3FB3]  }
0x2b: {  	s6 =	sld [smem:$0x3FB4]  }
0x2c: {  	s7 =	sld [smem:$0x3FB5]  }
0x2d: {  	s3 =	simm.s32 $0x108;
	s8 =	sld [smem:$0x3FB6]  }
0x2e: {  	s3 =	simm.s32 @!p0 $0x1082;
	s9 =	sld [smem:$0x3FB7]  }
0x2f: {  	lr =	sadd.s32 s0, s3;
	s0 =	sld [smem:$0x3FAE]  }
0x30: {  	s3 =	sld [smem:$0x3FB1]  }
0x31: {  	[smem:$0x3FBA] =	sst s10  }
0x32: {  	s10 =	sld [smem:$0x3FB8];
	_ =	sdelay $0x3  }
0x33: {  	p0 =	seq.s32 s10, $0x1;
	s10 =	sld [smem:$0x3FBA];
	_ =	sdelay $0x3  }
0x34: {  	[smem:$0x3FBA] =	sst s10  }
0x35: {  	s10 =	sld [smem:$0x3FB9];
	_ =	sdelay $0x3  }
0x36: {  	p1 =	seq.s32 s10, $0x1;
	s10 =	sld [smem:$0x3FBA];
	_ =	sdelay $0x3  }
0x37: {  	[smem:$0x3FBA] =	sst s10  }
0x38: {  	s10 =	sld [smem:$0x3FBB]  }
0x39: {  	_ = 	snop;
	(pc) =	sbr.ind lr, $3  }
0x3a: {  	_ = 	snop  }
0x3b: {  	_ = 	snop  }
0x3c: {  	p2 =	seq.s32 s10, $0x1;
	s10 =	sld [smem:$0x3FBA]  }
0x3d: {  	_ =	shalt  }
0x3e: {  	_ =	shalt  }
0x3f: {  	_ =	shalt  }
0x40: {  	_ =	shalt  }
0x41: {  	_ =	shalt  }
0x42: {  	_ =	shalt  }
0x43: {  	_ =	shalt  }
0x44: {  	_ =	shalt  }
0x45: {  	_ =	shalt  }
0x46: {  	_ =	shalt  }
0x47: {  	_ =	shalt  }
0x48: {  	_ =	shalt  }
0x49: {  	_ =	shalt  }
0x4a: {  	_ =	shalt  }
0x4b: {  	_ =	shalt  }
0x4c: {  	_ =	shalt  }
0x4d: {  	_ =	shalt  }
0x4e: {  	_ =	shalt  }
0x4f: {  	_ =	shalt  }
0x50: {  	_ =	shalt  }
0x51: {  	_ =	shalt  }
0x52: {  	_ =	shalt  }
0x53: {  	_ =	shalt  }
0x54: {  	_ =	shalt  }
0x55: {  	_ =	shalt  }
0x56: {  	_ =	shalt  }
0x57: {  	_ =	shalt  }
0x58: {  	_ =	shalt  }
0x59: {  	_ =	shalt  }
0x5a: {  	_ =	shalt  }
0x5b: {  	_ =	shalt  }
0x5c: {  	_ =	shalt  }
0x5d: {  	_ =	shalt  }
0x5e: {  	_ =	shalt  }
0x5f: {  	_ =	shalt  }
0x60: {  	_ =	shalt  }
0x61: {  	_ =	shalt  }
0x62: {  	_ =	shalt  }
0x63: {  	_ =	shalt  }
0x64: {  	_ =	shalt  }
0x65: {  	_ =	shalt  }
0x66: {  	_ =	shalt  }
0x67: {  	_ =	shalt  }
0x68: {  	_ =	shalt  }
0x69: {  	_ =	shalt  }
0x6a: {  	_ =	shalt  }
0x6b: {  	_ =	shalt  }
0x6c: {  	_ =	shalt  }
0x6d: {  	_ =	shalt  }
0x6e: {  	_ =	shalt  }
0x6f: {  	_ =	shalt  }
0x70: {  	_ =	shalt  }
0x71: {  	_ =	shalt  }
0x72: {  	_ =	shalt  }
0x73: {  	_ =	shalt  }
0x74: {  	_ =	shalt  }
0x75: {  	_ =	shalt  }
0x76: {  	_ =	shalt  }
0x77: {  	_ =	shalt  }
0x78: {  	_ =	shalt  }
0x79: {  	_ =	shalt  }
0x7a: {  	_ =	shalt  }
0x7b: {  	_ =	shalt  }
0x7c: {  	_ =	shalt  }
0x7d: {  	_ =	shalt  }
0x7e: {  	_ =	shalt  }
0x7f: {  	_ =	shalt  }
0x80: {  	_ =	shalt  }
0x81: {  	_ =	shalt  }
0x82: {  	_ =	shalt  }
0x83: {  	_ =	shalt  }
0x84: {  	_ =	shalt  }
0x85: {  	_ =	shalt  }
0x86: {  	_ =	shalt  }
0x87: {  	_ =	shalt  }
.Lfunc_end0:
.L_simem_size_0:
called_computation_lowered:
.L_overlay_start_0:
0x88: {  	s2 =	sld [smem:$0x3FD9]  }
0x89: {  	s3 =	sld [smem:$0x3FFE];
	_ =	sdelay $0x1  }
0x8a: {  	s1 =	srdreg.scid  }
0x8b: {  	s0 =	sand.u32 $0x1, s1  }
0x8c: {  	s17 =	sshll.u32 s0, $0xA;
	s2 =	sadd.s32 s3, s2  }
0x8d: {  	s2 =	sadd.s32 s2, s17  }
0x8e: {  	[smem:$0x3FC6] =	sst s2  }
0x8f: {  	_ = 	snop  }
0x90: {  	s2 =	sld [smem:$0x3FC9]  }
0x91: {  	s18 =	sld [smem:$0x3FC8];
	(tm) =	ssettm $0x1  }
0x92: {  	s4 =	sld [smem:$0x3FFB];
	_ =	sdelay $0x3  }
0x93: {  	_ =	strace s4  }
0x94: {  	s4 =	sld [smem:$0x3FFC];
	_ =	sdelay $0x3  }
0x95: {  	_ =	strace s4  }
0x96: {  	s4 =	sld [smem:$0x3FFD];
	_ =	sdelay $0x3  }
0x97: {  	_ =	strace s4  }
0x98: {  	_ =	strace $0x8FFFFFFF  }
0x99: {  	s19 =	sld [smem:$0x3FDB];
	_ =	sdelay $0x1  }
0x9a: {  	s5 =	simm.s32 $_scs_section_size  }
0x9b: {  	s6 =	simm.s32 $_size__tile_overlayer_lowered;
	s7 =	simm.s32 $_tile_overlayer_lowered  }
0x9c: {  	s22 =	simm.s32 $0x1BFF;
	s21 =	sshll.u32 s7, $0x1;
	s4 =	sadd.s32 s5, s19  }
0x9d: {  	s8 =	simm.s32 $0x0;
	s20 =	sshll.u32 s6, $0x1;
	s6 =	sadd.s32 s21, s4  }
0x9e: {  	[timem:s8], [sflag:s22] =	dma.local [hbm:s6], s20  }
0x9f: {  	_ =	swait.ge [sflag:s22], s20  }
0xa0: {  	s5 =	ssub.s32 $0x0, s20;
	[sflag:s22] =	ssyncset.done $0x0  }
0xa1: {  	[sflag:s22] =	ssyncadd.s32 s5;
	_ =	sdelay $0x1  }
0xa2: {  	s23 =	simm.s32 $0x1B8B  }
0xa3: {  	_ =	swait.ge [sflag:s23], $0x1  }
0xa4: {  	[sflag:s23] =	ssyncset.done $0x0  }
0xa5: {  	s25 =	simm.s32 $0x1B8E;
	s24 =	sld [smem:$0x3FFE];
	[sflag:s23] =	ssyncadd.s32 $0xFFFFFFFF  }
0xa6: {  	s26 =	simm.s32 $execute0_lowered;
	[smem:$0x3FD2] =	sst s25  }
0xa7: {  	s6 =	sshll.u32 s26, $0x1;
	_ =	strace $0x80000046;
	[dreg:$0x1] =	wrdreg $0xFFFFFFFF  }
0xa8: {  	s28 =	simm.s32 $_size_execute0_lowered;
	s4 =	sadd.s32 s4, s6;
	[dreg:$0x0] =	wrdreg $0x0  }
0xa9: {  	s6 =	sshll.u32 s28, $0x1;
	[dreg:$0x2] =	wrdreg s4  }
0xaa: {  	[dreg:$0x3] =	wrdreg s6  }
0xab: {  	[dreg:$0x4] =	wrdreg $0xC0  }
0xac: {  	_ =	task [dreg:s8], $0x5FFFF  }
0xad: {  	[dreg:$0x1] =	wrdreg $0xFFFFFFFF  }
0xae: {  	[dreg:$0x0] =	wrdreg $0x60  }
0xaf: {  	[dreg:$0x2] =	wrdreg s2  }
0xb0: {  	[dreg:$0x3] =	wrdreg s18  }
0xb1: {  	[dreg:$0x4] =	wrdreg s24  }
0xb2: {  	[dreg:$0x5] =	wrdreg $0x9  }
0xb3: {  	_ =	task.clear_ibuf [dreg:s8], $0x6FFFF;
	_ =	strace $0x90000046  }
0xb4: {  	s29 =	simm.s32 $0x9;
	_ =	strace $0x80000048  }
0xb5: {  	_ =	swait.ge [sflag:s29], $0x1  }
0xb6: {  	[sflag:s29] =	ssyncadd.s32 $0xFFFFFFFF  }
0xb7: {  	_ =	strace $0x90000048  }
0xb8: {  	_ =	sfence  }
0xb9: {  	s30 =	sld [smem:$0x0];
	_ =	sdelay $0x2  }
0xba: {  	s31 =	sshll.u32 s1, $0xD;
	s1 =	sshrl.u32 s1, $0x2  }
0xbb: {  	s3 =	sand.u32 $0x4000, s31;
	s1 =	sadd.s32 s1, s30  }
0xbc: {  	s0 =	sor.u32 s3, s0;
	s1 =	sshll.u32 s1, $0x11  }
0xbd: {  	s0 =	sor.u32 s1, s0  }
0xbe: {  	s0 =	sadd.s32 $0x8F2B, s0  }
0xbf: {  	[sflag:s0] =	ssyncadd.remote.s32 $0x1  }
0xc0: {  	_ =	sfence.sel $0xFFFF  }
0xc1: {  	[dreg:$0x0] =	wrdreg $0xFFFFFFFF;
	(pc) =	sbr.abs _section_cstart, $3  }
0xc2: {  	[dreg:$0x1] =	wrdreg $0xFFFFFFFF  }
0xc3: {  	_ =	task.clear_ibuf [dreg:s8], $0x2FFFF;
	_ =	strace $0x9FFFFFFF  }
0xc4: {  	(tm) =	ssettm $0x7FFFFFFF  }
0xc5: {  	_ =	shalt  }
tec
execute0_lowered:
.L_overlay_start_1:
0x0: {  	(tag) =	ssettag $0x1  }
0x1: {  	s0 =	rddreg [dreg:$0x0]  }
0x2: {  	s1 =	rddreg [dreg:$0x1]  }
0x3: {  	s3 =	rddreg [dreg:$0x2];
	s2 =	simm.s32 $0x0  }
0x4: {  	s4 =	srdreg.scid;
	s7 =	stileid.u32;
	s21 =	simm.s32 $0x1  }
0x5: {  	s22 =	simm.s32 $0x2000;
	s24 =	simm.s32 $0x0;
	[smem:$0x7FF] =	sst s2  }
0x6: {  	s4 =	sand.u32 $0x1, s4;
	s5 =	sshll.u32 s7, $0x1;
	s7 =	sshll.u32 s7, $0xE  }
0x7: {  	_ =	strace $0x80000047;
	s5 =	sor.u32 s4, s5;
	s4 =	ssub.s32 $0x2, s4  }
0x8: {  	s7 =	sand.u32 $0x38000, s7;
	s6 =	sshll.u32 s5, $0x4;
	s5 =	sshll.u32 s5, $0xD  }
0x9: {  	s28 =	sshrl.u32 s4, $0x1;
	s5 =	sand.u32 $0x6000, s5;
	s3 =	sadd.s32 s6, s3  }
0xa: {  	s4 =	ssub.s32 s4, s28;
	s16 =	sor.u32 s7, s5;
	s19 =	sadd.s32 $0x400, s3  }
0xb: {  	s20 =	smax.u32 s4, $0x1;
	s5 =	sadd.s32 s0, s16;
	s29 =	sor.u32 $0x400, s16  }
0xc: {  	s30 =	sadd.s32 s1, s16;
	s8 =	sor.u32 $0x800, s16;
	s10 =	sor.u32 $0xC00, s16  }
0xd: {  	s12 =	sor.u32 $0x1000, s16;
	s14 =	sor.u32 $0x1400, s16;
	[dreg:$0x4] =	wrdreg s5  }
0xe: {  	s17 =	sor.u32 $0x1800, s16;
	s18 =	sor.u32 $0x1C00, s16;
	[dreg:$0x5] =	wrdreg s30  }
0xf: {  	s31 =	sadd.s32 s0, s29;
	s6 =	sadd.s32 s1, s29;
	s7 =	sadd.s32 s0, s8  }
0x10: {  	s8 =	sadd.s32 s1, s8;
	s9 =	sadd.s32 s0, s10;
	s10 =	sadd.s32 s1, s10  }
0x11: {  	s11 =	sadd.s32 s0, s12;
	s12 =	sadd.s32 s1, s12;
	s13 =	sadd.s32 s0, s14  }
0x12: {  	s14 =	sadd.s32 s1, s14;
	s15 =	sadd.s32 s0, s17;
	s16 =	sadd.s32 s1, s17  }
0x13: {  	s17 =	sadd.s32 s0, s18;
	s18 =	sadd.s32 s1, s18;
	[dreg:$0x6] =	wrdreg s31  }
.LBB2_1:
0x14: {  	s0 =	rddreg [dreg:$0x4]  }
0x15: {  	[tilespmem:s2], [sflag:$0x1] =	stream.linear.gather [hbm4b:s0+s2], $0x2000, $0x38;
	[tilespmem:$0x4080] =	vst v63  }
0x16: {  	_ =	swait.ge [sflag:s21], $0x2000  }
0x17: {  	[sflag:s21] =	ssyncset.done $0x0  }
0x18: {  	s31 =	rddreg [dreg:$0x5];
	[sflag:s21] =	ssyncadd.s32 $0xFFFFE000  }
0x19: {  	[tilespmem:s22], [sflag:$0x1] =	stream.linear.gather [hbm4b:s31+s2], $0x2000, $0x38;
	[tilespmem:$0x4080] =	vst v63  }
0x1a: {  	_ =	swait.ge [sflag:s21], $0x2000  }
0x1b: {  	[sflag:s21] =	ssyncset.done $0x0  }
0x1c: {  	v0 =	vimm.f32 $0.0e+00;
	s25 =	simm.s32 $0x0;
	[sflag:s21] =	ssyncadd.s32 $0xFFFFE000  }
.LBB2_2:
0x1d: {  	s0 =	sshll.u32 s25, $0x9;
	s1 =	sshll.u32 s25, $0x7  }
0x1e: {  	s3 =	simm.s32 $0x0;
	s0 =	sand.u32 $0x1000, s0;
	s1 =	sand.u32 $0x380, s1  }
0x1f: {  	s23 =	sand.u32 $0xC00, s3;
	s0 =	sor.u32 s0, s1  }
0x20: {  	s3 =	sand.u32 $0x70, s3;
	s1 =	sor.u32 s23, s0  }
0x21: {  	s1 =	sor.u32 s3, s1  }
0x22: {  	v13 =	vld [tilespmem:s1+$0x0];
	_ =	sdelay $0x4  }
0x23: {  	v1 =	vand.u32 $0x7FFFFFFF, v13  }
0x24: {  	s26 =	simm.s32 $0x80;
	v1 =	vsub.f32 $0.0e+00, v1  }
0x25: {  	s4 =	simm.s32 $0x10;
	s3 =	sand.u32 $0xC00, s26  }
0x26: {  	s4 =	sand.u32 $0x70, s4;
	s3 =	sor.u32 s3, s0;
	v1 =	vmul.f32 $1.442695020e+00, v1  }
0x27: {  	s31 =	sor.u32 s4, s3  }
0x28: {  	v4 =	vld [tilespmem:s31+$0x0];
	(erf) = vpow2.f32 v1;
	_ =	sdelay $0x2  }
0x29: {  	s4 =	simm.s32 $0x100  }
0x2a: {  	s5 =	simm.s32 $0x20;
	s3 =	sand.u32 $0xC00, s4  }
0x2b: {  	s4 =	sand.u32 $0x70, s5;
	s3 =	sor.u32 s3, s0;
	v1 =	vand.u32 $0x7FFFFFFF, v4  }
0x2c: {  	s30 =	sor.u32 s4, s3;
	v1 =	vsub.f32 $0.0e+00, v1  }
0x2d: {  	v3 =	vld [tilespmem:s30+$0x0]  }
0x2e: {  	v1 =	vmul.f32 $1.442695020e+00, v1  }
0x2f: {  	v2 =	vpop (erf)  }
0x30: {  	(erf) = vpow2.f32 v1;
	v1 =	vadd.f32 $2.000000000e+00, v2;
	_ =	sdelay $0x1  }
0x31: {  	(erf) = vrcp.f32 v1;
	v1 =	vand.u32 $0x7FFFFFFF, v3  }
0x32: {  	v1 =	vsub.f32 $0.0e+00, v1;
	_ =	sdelay $0x1  }
0x33: {  	s23 =	simm.s32 $0x180;
	v5 =	vmul.f32 $1.442695020e+00, v1  }
0x34: {  	s26 =	simm.s32 $0x30;
	s3 =	sand.u32 $0xC00, s23  }
0x35: {  	s4 =	sand.u32 $0x70, s26;
	s3 =	sor.u32 s3, s0  }
0x36: {  	s26 =	sor.u32 s4, s3  }
0x37: {  	v1 =	vld [tilespmem:s26+$0x0];
	(erf) = vpow2.f32 v5;
	v5 =	vpop (erf)  }
0x38: {  	v6 =	vadd.f32 $2.000000000e+00, v5;
	_ =	sdelay $0x3  }
0x39: {  	v7 =	vand.u32 $0x7FFFFFFF, v1;
	(erf) = vrcp.f32 v6;
	v6 =	vpop (erf)  }
0x3a: {  	s5 =	simm.s32 $0x200;
	v6 =	vmul.f32 v6, v2;
	v2 =	vsub.f32 $0.0e+00, v7  }
0x3b: {  	s23 =	simm.s32 $0x40;
	s3 =	sand.u32 $0xC00, s5  }
0x3c: {  	s4 =	sand.u32 $0x70, s23;
	s3 =	sor.u32 s3, s0;
	v10 =	vmul.f32 v6, v6;
	v7 =	vmul.f32 $1.442695020e+00, v2  }
0x3d: {  	s28 =	sor.u32 s4, s3;
	v12 =	vpop (erf)  }
0x3e: {  	v2 =	vld [tilespmem:s28+$0x0];
	v8 =	vmul.f32 $2.222222240e-01, v10;
	(erf) = vpow2.f32 v7;
	v7 =	vadd.f32 $2.000000000e+00, v12;
	_ =	sdelay $0x1  }
0x3f: {  	v8 =	vadd.f32 $2.857142980e-01, v8;
	_ =	sdelay $0x1  }
0x40: {  	s5 =	simm.s32 $0x280;
	(erf) = vrcp.f32 v7;
	v7 =	vpop (erf);
	v8 =	vmul.f32 v8, v10  }
0x41: {  	s23 =	simm.s32 $0x50;
	s3 =	sand.u32 $0xC00, s5;
	v7 =	vmul.f32 v7, v5;
	v5 =	vand.u32 $0x7FFFFFFF, v2  }
0x42: {  	s4 =	sand.u32 $0x70, s23;
	s3 =	sor.u32 s3, s0;
	v9 =	vadd.f32 $4.000000060e-01, v8;
	v11 =	vsub.f32 $0.0e+00, v5  }
0x43: {  	v16 =	vld [tilespmem:s1+$0x2000];
	s29 =	sor.u32 s4, s3  }
0x44: {  	v5 =	vld [tilespmem:s29+$0x0];
	v8 =	vmul.f32 v7, v7;
	v11 =	vmul.f32 $1.442695020e+00, v11  }
0x45: {  	v14 =	vmul.f32 v9, v10  }
0x46: {  	v15 =	vmul.f32 $2.222222240e-01, v8;
	v9 =	vpop (erf);
	(erf) = vpow2.f32 v11  }
0x47: {  	v14 =	vadd.f32 $6.666666860e-01, v14  }
0x48: {  	v17 =	vadd.f32 $2.000000000e+00, v9;
	v15 =	vadd.f32 $2.857142980e-01, v15  }
0x49: {  	vm0 =	vge.f32 v16, $5.000000000e-01;
	s23 =	simm.s32 $0x300;
	v18 =	vand.u32 $0x7FFFFFFF, v5;
	v14 =	vmul.f32 v14, v10  }
0x4a: {  	s5 =	sand.u32 $0xC00, s23;
	s4 =	simm.s32 $0x60;
	v18 =	vsub.f32 $0.0e+00, v18;
	v10 =	vpop (erf);
	(erf) = vrcp.f32 v17;
	v17 =	vmul.f32 v15, v8  }
0x4b: {  	s3 =	sor.u32 s5, s0;
	s1 =	sand.u32 $0x70, s4;
	v11 =	vmax.f32 v13, $0.0e+00;
	v10 =	vmul.f32 v10, v12;
	v12 =	vadd.f32 $2.000000000e+00, v14  }
0x4c: {  	s1 =	sor.u32 s1, s3;
	s3 =	simm.s32 $0x70;
	v13 =	vnsel vm0, $0x0, v13;
	v15 =	vmul.f32 $1.442695020e+00, v18;
	v14 =	vadd.f32 $4.000000060e-01, v17  }
.LBB2_3:
0x4d: {  	p0 =	sne.s32 s3, $0x1F0;
	v16 =	vld [tilespmem:s1+$0x0];
	v17 =	vmul.f32 v10, v10;
	v12 =	vmul.f32 v12, v6;
	v11 =	vsub.f32 v11, v13;
	v18 =	vmovc v1  }
0x4e: {  	v1 =	vmovc v2;
	v2 =	vmovc v5;
	v6 =	vmov v7;
	v7 =	vmov v10;
	v13 =	vmul.f32 v14, v8  }
0x4f: {  	(erf) = vpow2.f32 v15;
	v14 =	vpop (erf);
	v20 =	vmul.f32 $2.222222240e-01, v17;
	v15 =	vld [tilespmem:s31+$0x2000];
	v10 =	vadd.f32 v12, v11;
	s31 =	smov.u32 s30;
	s30 =	smov.u32 s26;
	s26 =	smov.u32 s28  }
0x50: {  	s28 =	smov.u32 s29;
	s29 =	smov.u32 s1;
	v12 =	vadd.f32 $2.000000000e+00, v14;
	v11 =	vadd.f32 $6.666666860e-01, v13  }
.Ltmp0:
0x51: {  	v13 =	vadd.f32 $2.857142980e-01, v20;
	v0 =	vadd.f32 v10, v0;
	(pc) =	sbr.rel @p0 .LBB2_3-.Ltmp0, $4  }
0x52: {  	s23 =	sadd.s32 $0x80, s23;
	v20 =	vand.u32 $0x7FFFFFFF, v16;
	v19 =	vmul.f32 v11, v8;
	v11 =	vmax.f32 v4, $0.0e+00;
	v5 =	vmovc v16;
	v8 =	vmovc v17  }
0x53: {  	s1 =	sand.u32 $0xC00, s23;
	v16 =	vsub.f32 $0.0e+00, v20;
	(erf) = vrcp.f32 v12;
	v10 =	vpop (erf);
	v13 =	vmul.f32 v13, v8  }
0x54: {  	s4 =	sand.u32 $0x70, s3;
	s1 =	sor.u32 s1, s0;
	v10 =	vmul.f32 v10, v9;
	v12 =	vadd.f32 $2.000000000e+00, v19;
	vm0 =	vge.f32 v15, $5.000000000e-01;
	v9 =	vmovc v14  }
0x55: {  	s3 =	sadd.s32 $0x10, s3;
	s1 =	sor.u32 s4, s1;
	v15 =	vmul.f32 $1.442695020e+00, v16;
	v14 =	vadd.f32 $4.000000060e-01, v13;
	v13 =	vnsel vm0, $0x0, v4;
	v4 =	vmovc v3;
	v3 =	vmovc v18  }
0x56: {  	v16 =	vld [tilespmem:s1+$0x0];
	_ =	sdelay $0x4  }
0x57: {  	v17 =	vand.u32 $0x7FFFFFFF, v16  }
0x58: {  	v18 =	vpop (erf);
	v17 =	vsub.f32 $0.0e+00, v17  }
0x59: {  	v59 =	vadd.f32 $2.000000000e+00, v18  }
0x5a: {  	(erf) = vpow2.f32 v15;
	v17 =	vmul.f32 $1.442695020e+00, v17  }
0x5b: {  	(erf) = vrcp.f32 v59  }
0x5c: {  	(erf) = vpow2.f32 v17;
	_ =	sdelay $0x5  }
0x5d: {  	v61 =	vpop (erf)  }
0x5e: {  	v20 =	vpop (erf)  }
0x5f: {  	v60 =	vmul.f32 v10, v10;
	v63 =	vld [tilespmem:s31+$0x2000];
	v21 =	vadd.f32 $2.000000000e+00, v20;
	v22 =	vpop (erf)  }
0x60: {  	v6 =	vmul.f32 v12, v6;
	v11 =	vsub.f32 v11, v13;
	v32 =	vld [tilespmem:s30+$0x2000];
	v14 =	vmul.f32 v14, v8;
	v62 =	vpop (erf)  }
0x61: {  	v44 =	vld [tilespmem:s26+$0x2000];
	v19 =	vmul.f32 $2.222222240e-01, v60;
	(erf) = vrcp.f32 v21;
	v23 =	vadd.f32 $2.000000000e+00, v62  }
0x62: {  	v54 =	vld [tilespmem:s28+$0x2000];
	v6 =	vadd.f32 v6, v11  }
0x63: {  	v14 =	vadd.f32 $6.666666860e-01, v14;
	v19 =	vadd.f32 $2.857142980e-01, v19;
	(erf) = vrcp.f32 v23  }
0x64: {  	v30 =	vmax.f32 v4, $0.0e+00;
	v38 =	vmax.f32 v3, $0.0e+00;
	v9 =	vmul.f32 v61, v9  }
0x65: {  	v0 =	vadd.f32 v6, v0;
	v25 =	vmul.f32 v14, v8;
	v19 =	vmul.f32 v19, v60  }
0x66: {  	vm0 =	vge.f32 v63, $5.000000000e-01;
	v26 =	vmul.f32 v9, v9;
	v29 =	vmul.f32 v22, v18  }
0x67: {  	vm11 =	vge.f32 v32, $5.000000000e-01;
	vm12 =	vge.f32 v44, $5.000000000e-01;
	vm13 =	vge.f32 v54, $5.000000000e-01  }
0x68: {  	v24 =	vadd.f32 $4.000000060e-01, v19;
	v28 =	vmul.f32 $2.222222240e-01, v26;
	v34 =	vmul.f32 v29, v29  }
0x69: {  	v59 =	vmax.f32 v2, $0.0e+00;
	v31 =	vnsel vm0, $0x0, v4;
	v8 =	vadd.f32 $2.000000000e+00, v25  }
0x6a: {  	v27 =	vmul.f32 v24, v60;
	v33 =	vadd.f32 $2.857142980e-01, v28;
	v39 =	vmul.f32 $2.222222240e-01, v34;
	v35 =	vpop (erf)  }
0x6b: {  	v3 =	vnsel vm11, $0x0, v3;
	v7 =	vmul.f32 v8, v7;
	v37 =	vmul.f32 v35, v20  }
0x6c: {  	v11 =	vadd.f32 $6.666666860e-01, v27;
	v36 =	vmul.f32 v33, v26;
	v42 =	vadd.f32 $2.857142980e-01, v39;
	v41 =	vpop (erf)  }
0x6d: {  	v4 =	vsub.f32 v30, v31;
	v40 =	vmul.f32 v37, v37;
	v43 =	vmul.f32 v41, v62  }
0x6e: {  	v11 =	vmul.f32 v11, v60;
	v6 =	vadd.f32 $4.000000060e-01, v36;
	v46 =	vmul.f32 v42, v34  }
0x6f: {  	v3 =	vsub.f32 v38, v3;
	v45 =	vmul.f32 $2.222222240e-01, v40;
	v47 =	vmul.f32 v43, v43  }
0x70: {  	v4 =	vadd.f32 v7, v4;
	v11 =	vadd.f32 $2.000000000e+00, v11;
	v6 =	vmul.f32 v6, v26  }
0x71: {  	v50 =	vadd.f32 $4.000000060e-01, v46;
	v49 =	vadd.f32 $2.857142980e-01, v45;
	v51 =	vmul.f32 $2.222222240e-01, v47  }
0x72: {  	v0 =	vadd.f32 v4, v0;
	v48 =	vmul.f32 v11, v10;
	v6 =	vadd.f32 $6.666666860e-01, v6  }
0x73: {  	v4 =	vmul.f32 v50, v34;
	v52 =	vmul.f32 v49, v40;
	v7 =	vadd.f32 $2.857142980e-01, v51  }
0x74: {  	v53 =	vnsel vm12, $0x0, v1;
	v3 =	vadd.f32 v48, v3;
	v6 =	vmul.f32 v6, v26  }
0x75: {  	v4 =	vadd.f32 $6.666666860e-01, v4;
	v10 =	vadd.f32 $4.000000060e-01, v52;
	v7 =	vmul.f32 v7, v47  }
0x76: {  	v1 =	vmax.f32 v1, $0.0e+00;
	v0 =	vadd.f32 v3, v0;
	v6 =	vadd.f32 $2.000000000e+00, v6  }
0x77: {  	v57 =	vld [tilespmem:s29+$0x2000];
	v3 =	vmul.f32 v4, v34;
	v55 =	vmul.f32 v10, v40;
	v56 =	vadd.f32 $4.000000060e-01, v7  }
0x78: {  	v2 =	vnsel vm13, $0x0, v2;
	v1 =	vsub.f32 v1, v53;
	v6 =	vmul.f32 v6, v9  }
0x79: {  	v60 =	vld [tilespmem:s1+$0x2000];
	v3 =	vadd.f32 $2.000000000e+00, v3;
	v58 =	vadd.f32 $6.666666860e-01, v55;
	v4 =	vmul.f32 v56, v47  }
0x7a: {  	v2 =	vsub.f32 v59, v2;
	v1 =	vadd.f32 v6, v1  }
0x7b: {  	v3 =	vmul.f32 v3, v29;
	v7 =	vmul.f32 v58, v40;
	v4 =	vadd.f32 $6.666666860e-01, v4  }
0x7c: {  	vm14 =	vge.f32 v57, $5.000000000e-01;
	v0 =	vadd.f32 v1, v0  }
0x7d: {  	v2 =	vadd.f32 v3, v2;
	v1 =	vadd.f32 $2.000000000e+00, v7;
	v3 =	vmul.f32 v4, v47  }
0x7e: {  	v61 =	vmax.f32 v5, $0.0e+00;
	vm15 =	vge.f32 v60, $5.000000000e-01;
	v62 =	vnsel vm14, $0x0, v5  }
0x7f: {  	s25 =	sadd.s32 $0x1, s25;
	v1 =	vmul.f32 v1, v37;
	v4 =	vsub.f32 v61, v62;
	v3 =	vadd.f32 $2.000000000e+00, v3  }
0x80: {  	p0 =	sne.s32 s25, $0x10;
	v63 =	vnsel vm15, $0x0, v16;
	v0 =	vadd.f32 v2, v0;
	v2 =	vmax.f32 v16, $0.0e+00  }
.Ltmp1:
0x81: {  	v2 =	vsub.f32 v2, v63;
	v1 =	vadd.f32 v1, v4;
	v3 =	vmul.f32 v3, v43;
	(pc) =	sbr.rel @p0 .LBB2_2-.Ltmp1, $3  }
0x82: {  	_ = 	snop  }
0x83: {  	v0 =	vadd.f32 v1, v0;
	v1 =	vadd.f32 v3, v2;
	_ =	sdelay $0x1  }
0x84: {  	v0 =	vadd.f32 v1, v0  }
0x85: {  	s25 =	simm.s32 $0x0;
	s0 =	rddreg [dreg:$0x6]  }
0x86: {  	[tilespmem:s25], [sflag:$0x1] =	stream.linear.gather [hbm4b:s0+s25], $0x2000, $0x38;
	[tilespmem:$0x4080] =	vst v63  }
0x87: {  	_ =	swait.ge [sflag:s21], $0x2000  }
0x88: {  	[sflag:s21] =	ssyncset.done $0x0  }
0x89: {  	[sflag:s21] =	ssyncadd.s32 $0xFFFFE000  }
0x8a: {  	[tilespmem:s22], [sflag:$0x1] =	stream.linear.gather [hbm4b:s6+s25], $0x2000, $0x38;
	[tilespmem:$0x4080] =	vst v63  }
0x8b: {  	_ =	swait.ge [sflag:s21], $0x2000  }
0x8c: {  	[sflag:s21] =	ssyncset.done $0x0  }
0x8d: {  	s26 =	simm.s32 $0x0;
	[sflag:s21] =	ssyncadd.s32 $0xFFFFE000  }
.LBB2_6:
0x8e: {  	s0 =	sshll.u32 s26, $0x9;
	s1 =	sshll.u32 s26, $0x7  }
0x8f: {  	s0 =	sand.u32 $0x1000, s0;
	s1 =	sand.u32 $0x380, s1  }
0x90: {  	s5 =	sand.u32 $0xC00, s25;
	s1 =	sor.u32 s0, s1  }
0x91: {  	s3 =	sand.u32 $0x70, s25;
	s0 =	sor.u32 s5, s1  }
0x92: {  	s3 =	sor.u32 s3, s0  }
0x93: {  	v13 =	vld [tilespmem:s3+$0x0];
	_ =	sdelay $0x4  }
0x94: {  	v1 =	vand.u32 $0x7FFFFFFF, v13  }
0x95: {  	s23 =	simm.s32 $0x80;
	v1 =	vsub.f32 $0.0e+00, v1  }
0x96: {  	s4 =	simm.s32 $0x10;
	s0 =	sand.u32 $0xC00, s23  }
0x97: {  	s4 =	sand.u32 $0x70, s4;
	s0 =	sor.u32 s0, s1;
	v1 =	vmul.f32 $1.442695020e+00, v1  }
0x98: {  	s0 =	sor.u32 s4, s0  }
0x99: {  	v4 =	vld [tilespmem:s0+$0x0];
	(erf) = vpow2.f32 v1;
	_ =	sdelay $0x2  }
0x9a: {  	s5 =	simm.s32 $0x100  }
0x9b: {  	s23 =	simm.s32 $0x20;
	s4 =	sand.u32 $0xC00, s5  }
0x9c: {  	s23 =	sand.u32 $0x70, s23;
	s4 =	sor.u32 s4, s1;
	v1 =	vand.u32 $0x7FFFFFFF, v4  }
0x9d: {  	s31 =	sor.u32 s23, s4;
	v1 =	vsub.f32 $0.0e+00, v1  }
0x9e: {  	v3 =	vld [tilespmem:s31+$0x0]  }
0x9f: {  	v1 =	vmul.f32 $1.442695020e+00, v1  }
0xa0: {  	v2 =	vpop (erf)  }
0xa1: {  	(erf) = vpow2.f32 v1;
	v1 =	vadd.f32 $2.000000000e+00, v2;
	_ =	sdelay $0x1  }
0xa2: {  	(erf) = vrcp.f32 v1;
	v1 =	vand.u32 $0x7FFFFFFF, v3  }
0xa3: {  	v1 =	vsub.f32 $0.0e+00, v1;
	_ =	sdelay $0x1  }
0xa4: {  	s23 =	simm.s32 $0x180;
	v5 =	vmul.f32 $1.442695020e+00, v1  }
0xa5: {  	s5 =	simm.s32 $0x30;
	s4 =	sand.u32 $0xC00, s23  }
0xa6: {  	s23 =	sand.u32 $0x70, s5;
	s4 =	sor.u32 s4, s1  }
0xa7: {  	s28 =	sor.u32 s23, s4  }
0xa8: {  	v1 =	vld [tilespmem:s28+$0x0];
	(erf) = vpow2.f32 v5;
	v5 =	vpop (erf)  }
0xa9: {  	v6 =	vadd.f32 $2.000000000e+00, v5;
	_ =	sdelay $0x3  }
0xaa: {  	v7 =	vand.u32 $0x7FFFFFFF, v1;
	(erf) = vrcp.f32 v6;
	v6 =	vpop (erf)  }
0xab: {  	s23 =	simm.s32 $0x200;
	v6 =	vmul.f32 v6, v2;
	v2 =	vsub.f32 $0.0e+00, v7  }
0xac: {  	s5 =	simm.s32 $0x40;
	s4 =	sand.u32 $0xC00, s23  }
0xad: {  	s23 =	sand.u32 $0x70, s5;
	s4 =	sor.u32 s4, s1;
	v10 =	vmul.f32 v6, v6;
	v7 =	vmul.f32 $1.442695020e+00, v2  }
0xae: {  	s29 =	sor.u32 s23, s4;
	v12 =	vpop (erf)  }
0xaf: {  	v2 =	vld [tilespmem:s29+$0x0];
	v8 =	vmul.f32 $2.222222240e-01, v10;
	(erf) = vpow2.f32 v7;
	v7 =	vadd.f32 $2.000000000e+00, v12;
	_ =	sdelay $0x1  }
0xb0: {  	v8 =	vadd.f32 $2.857142980e-01, v8;
	_ =	sdelay $0x1  }
0xb1: {  	s23 =	simm.s32 $0x280;
	(erf) = vrcp.f32 v7;
	v7 =	vpop (erf);
	v8 =	vmul.f32 v8, v10  }
0xb2: {  	s5 =	simm.s32 $0x50;
	s4 =	sand.u32 $0xC00, s23;
	v7 =	vmul.f32 v7, v5;
	v5 =	vand.u32 $0x7FFFFFFF, v2  }
0xb3: {  	s23 =	sand.u32 $0x70, s5;
	s4 =	sor.u32 s4, s1;
	v9 =	vadd.f32 $4.000000060e-01, v8;
	v11 =	vsub.f32 $0.0e+00, v5  }
0xb4: {  	v16 =	vld [tilespmem:s3+$0x2000];
	s30 =	sor.u32 s23, s4  }
0xb5: {  	v5 =	vld [tilespmem:s30+$0x0];
	v8 =	vmul.f32 v7, v7;
	v11 =	vmul.f32 $1.442695020e+00, v11  }
0xb6: {  	v14 =	vmul.f32 v9, v10  }
0xb7: {  	v15 =	vmul.f32 $2.222222240e-01, v8;
	v9 =	vpop (erf);
	(erf) = vpow2.f32 v11  }
0xb8: {  	v14 =	vadd.f32 $6.666666860e-01, v14  }
0xb9: {  	v17 =	vadd.f32 $2.000000000e+00, v9;
	v15 =	vadd.f32 $2.857142980e-01, v15  }
0xba: {  	s3 =	simm.s32 $0x300;
	vm0 =	vge.f32 v16, $5.000000000e-01;
	v18 =	vand.u32 $0x7FFFFFFF, v5;
	v14 =	vmul.f32 v14, v10  }
0xbb: {  	s5 =	sand.u32 $0xC00, s3;
	s23 =	simm.s32 $0x60;
	v18 =	vsub.f32 $0.0e+00, v18;
	v10 =	vpop (erf);
	(erf) = vrcp.f32 v17;
	v17 =	vmul.f32 v15, v8  }
0xbc: {  	s4 =	sand.u32 $0x70, s23;
	s23 =	sor.u32 s5, s1;
	v11 =	vmax.f32 v13, $0.0e+00;
	v10 =	vmul.f32 v10, v12;
	v12 =	vadd.f32 $2.000000000e+00, v14  }
0xbd: {  	s23 =	sor.u32 s4, s23;
	s4 =	simm.s32 $0x70;
	v13 =	vnsel vm0, $0x0, v13;
	v15 =	vmul.f32 $1.442695020e+00, v18;
	v14 =	vadd.f32 $4.000000060e-01, v17  }
.LBB2_7:
0xbe: {  	p0 =	sne.s32 s4, $0x1F0;
	v16 =	vld [tilespmem:s23+$0x0];
	v17 =	vmul.f32 v10, v10;
	v12 =	vmul.f32 v12, v6;
	v11 =	vsub.f32 v11, v13;
	v18 =	vmovc v1  }
0xbf: {  	v1 =	vmovc v2;
	v2 =	vmovc v5;
	v6 =	vmov v7;
	v7 =	vmov v10;
	v13 =	vmul.f32 v14, v8  }
0xc0: {  	(erf) = vpow2.f32 v15;
	v14 =	vpop (erf);
	v20 =	vmul.f32 $2.222222240e-01, v17;
	v15 =	vld [tilespmem:s0+$0x2000];
	v10 =	vadd.f32 v12, v11;
	s0 =	smov.u32 s31;
	s31 =	smov.u32 s28;
	s28 =	smov.u32 s29  }
0xc1: {  	s29 =	smov.u32 s30;
	s30 =	smov.u32 s23;
	v12 =	vadd.f32 $2.000000000e+00, v14;
	v11 =	vadd.f32 $6.666666860e-01, v13  }
.Ltmp2:
0xc2: {  	v13 =	vadd.f32 $2.857142980e-01, v20;
	v0 =	vadd.f32 v10, v0;
	(pc) =	sbr.rel @p0 .LBB2_7-.Ltmp2, $4  }
0xc3: {  	s3 =	sadd.s32 $0x80, s3;
	v20 =	vand.u32 $0x7FFFFFFF, v16;
	v19 =	vmul.f32 v11, v8;
	v11 =	vmax.f32 v4, $0.0e+00;
	v5 =	vmovc v16;
	v8 =	vmovc v17  }
0xc4: {  	s23 =	sand.u32 $0xC00, s3;
	v16 =	vsub.f32 $0.0e+00, v20;
	(erf) = vrcp.f32 v12;
	v10 =	vpop (erf);
	v13 =	vmul.f32 v13, v8  }
0xc5: {  	s5 =	sand.u32 $0x70, s4;
	s23 =	sor.u32 s23, s1;
	v10 =	vmul.f32 v10, v9;
	v12 =	vadd.f32 $2.000000000e+00, v19;
	vm0 =	vge.f32 v15, $5.000000000e-01;
	v9 =	vmovc v14  }
0xc6: {  	s4 =	sadd.s32 $0x10, s4;
	s23 =	sor.u32 s5, s23;
	v15 =	vmul.f32 $1.442695020e+00, v16;
	v14 =	vadd.f32 $4.000000060e-01, v13;
	v13 =	vnsel vm0, $0x0, v4;
	v4 =	vmovc v3;
	v3 =	vmovc v18  }
0xc7: {  	v16 =	vld [tilespmem:s23+$0x0];
	_ =	sdelay $0x4  }
0xc8: {  	v17 =	vand.u32 $0x7FFFFFFF, v16  }
0xc9: {  	v18 =	vpop (erf);
	v17 =	vsub.f32 $0.0e+00, v17  }
0xca: {  	v59 =	vadd.f32 $2.000000000e+00, v18  }
0xcb: {  	(erf) = vpow2.f32 v15;
	v17 =	vmul.f32 $1.442695020e+00, v17  }
0xcc: {  	(erf) = vrcp.f32 v59  }
0xcd: {  	(erf) = vpow2.f32 v17;
	_ =	sdelay $0x5  }
0xce: {  	v61 =	vpop (erf)  }
0xcf: {  	v20 =	vpop (erf)  }
0xd0: {  	v60 =	vmul.f32 v10, v10;
	v63 =	vld [tilespmem:s0+$0x2000];
	v21 =	vadd.f32 $2.000000000e+00, v20;
	v22 =	vpop (erf)  }
0xd1: {  	v6 =	vmul.f32 v12, v6;
	v11 =	vsub.f32 v11, v13;
	v32 =	vld [tilespmem:s31+$0x2000];
	v14 =	vmul.f32 v14, v8;
	v62 =	vpop (erf)  }
0xd2: {  	v44 =	vld [tilespmem:s28+$0x2000];
	v19 =	vmul.f32 $2.222222240e-01, v60;
	(erf) = vrcp.f32 v21;
	v23 =	vadd.f32 $2.000000000e+00, v62  }
0xd3: {  	v54 =	vld [tilespmem:s29+$0x2000];
	v6 =	vadd.f32 v6, v11  }
0xd4: {  	v14 =	vadd.f32 $6.666666860e-01, v14;
	v19 =	vadd.f32 $2.857142980e-01, v19;
	(erf) = vrcp.f32 v23  }
0xd5: {  	v30 =	vmax.f32 v4, $0.0e+00;
	v38 =	vmax.f32 v3, $0.0e+00;
	v9 =	vmul.f32 v61, v9  }
0xd6: {  	v0 =	vadd.f32 v6, v0;
	v25 =	vmul.f32 v14, v8;
	v19 =	vmul.f32 v19, v60  }
0xd7: {  	vm0 =	vge.f32 v63, $5.000000000e-01;
	v26 =	vmul.f32 v9, v9;
	v29 =	vmul.f32 v22, v18  }
0xd8: {  	vm11 =	vge.f32 v32, $5.000000000e-01;
	vm12 =	vge.f32 v44, $5.000000000e-01;
	vm13 =	vge.f32 v54, $5.000000000e-01  }
0xd9: {  	v24 =	vadd.f32 $4.000000060e-01, v19;
	v28 =	vmul.f32 $2.222222240e-01, v26;
	v34 =	vmul.f32 v29, v29  }
0xda: {  	v59 =	vmax.f32 v2, $0.0e+00;
	v31 =	vnsel vm0, $0x0, v4;
	v8 =	vadd.f32 $2.000000000e+00, v25  }
0xdb: {  	v27 =	vmul.f32 v24, v60;
	v33 =	vadd.f32 $2.857142980e-01, v28;
	v39 =	vmul.f32 $2.222222240e-01, v34;
	v35 =	vpop (erf)  }
0xdc: {  	v3 =	vnsel vm11, $0x0, v3;
	v7 =	vmul.f32 v8, v7;
	v37 =	vmul.f32 v35, v20  }
0xdd: {  	v11 =	vadd.f32 $6.666666860e-01, v27;
	v36 =	vmul.f32 v33, v26;
	v42 =	vadd.f32 $2.857142980e-01, v39;
	v41 =	vpop (erf)  }
0xde: {  	v4 =	vsub.f32 v30, v31;
	v40 =	vmul.f32 v37, v37;
	v43 =	vmul.f32 v41, v62  }
0xdf: {  	v11 =	vmul.f32 v11, v60;
	v6 =	vadd.f32 $4.000000060e-01, v36;
	v46 =	vmul.f32 v42, v34  }
0xe0: {  	v3 =	vsub.f32 v38, v3;
	v45 =	vmul.f32 $2.222222240e-01, v40;
	v47 =	vmul.f32 v43, v43  }
0xe1: {  	v4 =	vadd.f32 v7, v4;
	v11 =	vadd.f32 $2.000000000e+00, v11;
	v6 =	vmul.f32 v6, v26  }
0xe2: {  	v50 =	vadd.f32 $4.000000060e-01, v46;
	v49 =	vadd.f32 $2.857142980e-01, v45;
	v51 =	vmul.f32 $2.222222240e-01, v47  }
0xe3: {  	v0 =	vadd.f32 v4, v0;
	v48 =	vmul.f32 v11, v10;
	v6 =	vadd.f32 $6.666666860e-01, v6  }
0xe4: {  	v4 =	vmul.f32 v50, v34;
	v52 =	vmul.f32 v49, v40;
	v7 =	vadd.f32 $2.857142980e-01, v51  }
0xe5: {  	v53 =	vnsel vm12, $0x0, v1;
	v3 =	vadd.f32 v48, v3;
	v6 =	vmul.f32 v6, v26  }
0xe6: {  	v4 =	vadd.f32 $6.666666860e-01, v4;
	v10 =	vadd.f32 $4.000000060e-01, v52;
	v7 =	vmul.f32 v7, v47  }
0xe7: {  	v1 =	vmax.f32 v1, $0.0e+00;
	v0 =	vadd.f32 v3, v0;
	v6 =	vadd.f32 $2.000000000e+00, v6  }
0xe8: {  	v57 =	vld [tilespmem:s30+$0x2000];
	v3 =	vmul.f32 v4, v34;
	v55 =	vmul.f32 v10, v40;
	v56 =	vadd.f32 $4.000000060e-01, v7  }
0xe9: {  	v2 =	vnsel vm13, $0x0, v2;
	v1 =	vsub.f32 v1, v53;
	v6 =	vmul.f32 v6, v9  }
0xea: {  	v60 =	vld [tilespmem:s23+$0x2000];
	v3 =	vadd.f32 $2.000000000e+00, v3;
	v58 =	vadd.f32 $6.666666860e-01, v55;
	v4 =	vmul.f32 v56, v47  }
0xeb: {  	v2 =	vsub.f32 v59, v2;
	v1 =	vadd.f32 v6, v1  }
0xec: {  	v3 =	vmul.f32 v3, v29;
	v7 =	vmul.f32 v58, v40;
	v4 =	vadd.f32 $6.666666860e-01, v4  }
0xed: {  	vm14 =	vge.f32 v57, $5.000000000e-01;
	v0 =	vadd.f32 v1, v0  }
0xee: {  	v2 =	vadd.f32 v3, v2;
	v1 =	vadd.f32 $2.000000000e+00, v7;
	v3 =	vmul.f32 v4, v47  }
0xef: {  	v61 =	vmax.f32 v5, $0.0e+00;
	vm15 =	vge.f32 v60, $5.000000000e-01;
	v62 =	vnsel vm14, $0x0, v5  }
0xf0: {  	s26 =	sadd.s32 $0x1, s26;
	v1 =	vmul.f32 v1, v37;
	v4 =	vsub.f32 v61, v62;
	v3 =	vadd.f32 $2.000000000e+00, v3  }
0xf1: {  	p0 =	sne.s32 s26, $0x10;
	v63 =	vnsel vm15, $0x0, v16;
	v0 =	vadd.f32 v2, v0;
	v2 =	vmax.f32 v16, $0.0e+00  }
.Ltmp3:
0xf2: {  	v2 =	vsub.f32 v2, v63;
	v1 =	vadd.f32 v1, v4;
	v3 =	vmul.f32 v3, v43;
	(pc) =	sbr.rel @p0 .LBB2_6-.Ltmp3, $3  }
0xf3: {  	_ = 	snop  }
0xf4: {  	v0 =	vadd.f32 v1, v0;
	v1 =	vadd.f32 v3, v2;
	_ =	sdelay $0x1  }
0xf5: {  	v0 =	vadd.f32 v1, v0  }
0xf6: {  	s25 =	simm.s32 $0x0  }
0xf7: {  	[tilespmem:s25], [sflag:$0x1] =	stream.linear.gather [hbm4b:s7+s25], $0x2000, $0x38;
	[tilespmem:$0x4080] =	vst v63  }
0xf8: {  	_ =	swait.ge [sflag:s21], $0x2000  }
0xf9: {  	[sflag:s21] =	ssyncset.done $0x0  }
0xfa: {  	[sflag:s21] =	ssyncadd.s32 $0xFFFFE000  }
0xfb: {  	[tilespmem:s22], [sflag:$0x1] =	stream.linear.gather [hbm4b:s8+s25], $0x2000, $0x38;
	[tilespmem:$0x4080] =	vst v63  }
0xfc: {  	_ =	swait.ge [sflag:s21], $0x2000  }
0xfd: {  	[sflag:s21] =	ssyncset.done $0x0  }
0xfe: {  	s26 =	simm.s32 $0x0;
	[sflag:s21] =	ssyncadd.s32 $0xFFFFE000  }
.LBB2_10:
0xff: {  	s0 =	sshll.u32 s26, $0x9;
	s1 =	sshll.u32 s26, $0x7  }
0x100: {  	s0 =	sand.u32 $0x1000, s0;
	s1 =	sand.u32 $0x380, s1  }
0x101: {  	s4 =	sand.u32 $0xC00, s25;
	s1 =	sor.u32 s0, s1  }
0x102: {  	s3 =	sand.u32 $0x70, s25;
	s0 =	sor.u32 s4, s1  }
0x103: {  	s3 =	sor.u32 s3, s0  }
0x104: {  	v13 =	vld [tilespmem:s3+$0x0];
	_ =	sdelay $0x4  }
0x105: {  	v1 =	vand.u32 $0x7FFFFFFF, v13  }
0x106: {  	s5 =	simm.s32 $0x80;
	v1 =	vsub.f32 $0.0e+00, v1  }
0x107: {  	s4 =	simm.s32 $0x10;
	s0 =	sand.u32 $0xC00, s5  }
0x108: {  	s4 =	sand.u32 $0x70, s4;
	s0 =	sor.u32 s0, s1;
	v1 =	vmul.f32 $1.442695020e+00, v1  }
0x109: {  	s0 =	sor.u32 s4, s0  }
0x10a: {  	v4 =	vld [tilespmem:s0+$0x0];
	(erf) = vpow2.f32 v1;
	_ =	sdelay $0x2  }
0x10b: {  	s23 =	simm.s32 $0x100  }
0x10c: {  	s5 =	simm.s32 $0x20;
	s4 =	sand.u32 $0xC00, s23  }
0x10d: {  	s5 =	sand.u32 $0x70, s5;
	s4 =	sor.u32 s4, s1;
	v1 =	vand.u32 $0x7FFFFFFF, v4  }
0x10e: {  	s31 =	sor.u32 s5, s4;
	v1 =	vsub.f32 $0.0e+00, v1  }
0x10f: {  	v3 =	vld [tilespmem:s31+$0x0]  }
0x110: {  	v1 =	vmul.f32 $1.442695020e+00, v1  }
0x111: {  	v2 =	vpop (erf)  }
0x112: {  	(erf) = vpow2.f32 v1;
	v1 =	vadd.f32 $2.000000000e+00, v2;
	_ =	sdelay $0x1  }
0x113: {  	(erf) = vrcp.f32 v1;
	v1 =	vand.u32 $0x7FFFFFFF, v3  }
0x114: {  	v1 =	vsub.f32 $0.0e+00, v1;
	_ =	sdelay $0x1  }
0x115: {  	s5 =	simm.s32 $0x180;
	v5 =	vmul.f32 $1.442695020e+00, v1  }
0x116: {  	s23 =	simm.s32 $0x30;
	s4 =	sand.u32 $0xC00, s5  }
0x117: {  	s5 =	sand.u32 $0x70, s23;
	s4 =	sor.u32 s4, s1  }
0x118: {  	s28 =	sor.u32 s5, s4  }
0x119: {  	v1 =	vld [tilespmem:s28+$0x0];
	(erf) = vpow2.f32 v5;
	v5 =	vpop (erf)  }
0x11a: {  	v6 =	vadd.f32 $2.000000000e+00, v5;
	_ =	sdelay $0x3  }
0x11b: {  	v7 =	vand.u32 $0x7FFFFFFF, v1;
	(erf) = vrcp.f32 v6;
	v6 =	vpop (erf)  }
0x11c: {  	s5 =	simm.s32 $0x200;
	v6 =	vmul.f32 v6, v2;
	v2 =	vsub.f32 $0.0e+00, v7  }
0x11d: {  	s23 =	simm.s32 $0x40;
	s4 =	sand.u32 $0xC00, s5  }
0x11e: {  	s5 =	sand.u32 $0x70, s23;
	s4 =	sor.u32 s4, s1;
	v10 =	vmul.f32 v6, v6;
	v7 =	vmul.f32 $1.442695020e+00, v2  }
0x11f: {  	s29 =	sor.u32 s5, s4;
	v12 =	vpop (erf)  }
0x120: {  	v2 =	vld [tilespmem:s29+$0x0];
	v8 =	vmul.f32 $2.222222240e-01, v10;
	(erf) = vpow2.f32 v7;
	v7 =	vadd.f32 $2.000000000e+00, v12;
	_ =	sdelay $0x1  }
0x121: {  	v8 =	vadd.f32 $2.857142980e-01, v8;
	_ =	sdelay $0x1  }
0x122: {  	s5 =	simm.s32 $0x280;
	(erf) = vrcp.f32 v7;
	v7 =	vpop (erf);
	v8 =	vmul.f32 v8, v10  }
0x123: {  	s23 =	simm.s32 $0x50;
	s4 =	sand.u32 $0xC00, s5;
	v7 =	vmul.f32 v7, v5;
	v5 =	vand.u32 $0x7FFFFFFF, v2  }
0x124: {  	s5 =	sand.u32 $0x70, s23;
	s4 =	sor.u32 s4, s1;
	v9 =	vadd.f32 $4.000000060e-01, v8;
	v11 =	vsub.f32 $0.0e+00, v5  }
0x125: {  	v16 =	vld [tilespmem:s3+$0x2000];
	s30 =	sor.u32 s5, s4  }
0x126: {  	v5 =	vld [tilespmem:s30+$0x0];
	v8 =	vmul.f32 v7, v7;
	v11 =	vmul.f32 $1.442695020e+00, v11  }
0x127: {  	v14 =	vmul.f32 v9, v10  }
0x128: {  	v15 =	vmul.f32 $2.222222240e-01, v8;
	v9 =	vpop (erf);
	(erf) = vpow2.f32 v11  }
0x129: {  	v14 =	vadd.f32 $6.666666860e-01, v14  }
0x12a: {  	v17 =	vadd.f32 $2.000000000e+00, v9;
	v15 =	vadd.f32 $2.857142980e-01, v15  }
0x12b: {  	s3 =	simm.s32 $0x300;
	vm0 =	vge.f32 v16, $5.000000000e-01;
	v18 =	vand.u32 $0x7FFFFFFF, v5;
	v14 =	vmul.f32 v14, v10  }
0x12c: {  	s23 =	sand.u32 $0xC00, s3;
	s5 =	simm.s32 $0x60;
	v18 =	vsub.f32 $0.0e+00, v18;
	v10 =	vpop (erf);
	(erf) = vrcp.f32 v17;
	v17 =	vmul.f32 v15, v8  }
0x12d: {  	s4 =	sand.u32 $0x70, s5;
	s5 =	sor.u32 s23, s1;
	v11 =	vmax.f32 v13, $0.0e+00;
	v10 =	vmul.f32 v10, v12;
	v12 =	vadd.f32 $2.000000000e+00, v14  }
0x12e: {  	s23 =	sor.u32 s4, s5;
	s4 =	simm.s32 $0x70;
	v13 =	vnsel vm0, $0x0, v13;
	v15 =	vmul.f32 $1.442695020e+00, v18;
	v14 =	vadd.f32 $4.000000060e-01, v17  }
.LBB2_11:
0x12f: {  	p0 =	sne.s32 s4, $0x1F0;
	v16 =	vld [tilespmem:s23+$0x0];
	v17 =	vmul.f32 v10, v10;
	v12 =	vmul.f32 v12, v6;
	v11 =	vsub.f32 v11, v13;
	v18 =	vmovc v1  }
0x130: {  	v1 =	vmovc v2;
	v2 =	vmovc v5;
	v6 =	vmov v7;
	v7 =	vmov v10;
	v13 =	vmul.f32 v14, v8  }
0x131: {  	(erf) = vpow2.f32 v15;
	v14 =	vpop (erf);
	v20 =	vmul.f32 $2.222222240e-01, v17;
	v15 =	vld [tilespmem:s0+$0x2000];
	v10 =	vadd.f32 v12, v11;
	s0 =	smov.u32 s31;
	s31 =	smov.u32 s28;
	s28 =	smov.u32 s29  }
0x132: {  	s29 =	smov.u32 s30;
	s30 =	smov.u32 s23;
	v12 =	vadd.f32 $2.000000000e+00, v14;
	v11 =	vadd.f32 $6.666666860e-01, v13  }
.Ltmp4:
0x133: {  	v13 =	vadd.f32 $2.857142980e-01, v20;
	v0 =	vadd.f32 v10, v0;
	(pc) =	sbr.rel @p0 .LBB2_11-.Ltmp4, $4  }
0x134: {  	s3 =	sadd.s32 $0x80, s3;
	v20 =	vand.u32 $0x7FFFFFFF, v16;
	v19 =	vmul.f32 v11, v8;
	v11 =	vmax.f32 v4, $0.0e+00;
	v5 =	vmovc v16;
	v8 =	vmovc v17  }
0x135: {  	s5 =	sand.u32 $0xC00, s3;
	v16 =	vsub.f32 $0.0e+00, v20;
	(erf) = vrcp.f32 v12;
	v10 =	vpop (erf);
	v13 =	vmul.f32 v13, v8  }
0x136: {  	s23 =	sand.u32 $0x70, s4;
	s5 =	sor.u32 s5, s1;
	v10 =	vmul.f32 v10, v9;
	v12 =	vadd.f32 $2.000000000e+00, v19;
	vm0 =	vge.f32 v15, $5.000000000e-01;
	v9 =	vmovc v14  }
0x137: {  	s4 =	sadd.s32 $0x10, s4;
	s23 =	sor.u32 s23, s5;
	v15 =	vmul.f32 $1.442695020e+00, v16;
	v14 =	vadd.f32 $4.000000060e-01, v13;
	v13 =	vnsel vm0, $0x0, v4;
	v4 =	vmovc v3;
	v3 =	vmovc v18  }
0x138: {  	v16 =	vld [tilespmem:s23+$0x0];
	_ =	sdelay $0x4  }
0x139: {  	v17 =	vand.u32 $0x7FFFFFFF, v16  }
0x13a: {  	v18 =	vpop (erf);
	v17 =	vsub.f32 $0.0e+00, v17  }
0x13b: {  	v59 =	vadd.f32 $2.000000000e+00, v18  }
0x13c: {  	(erf) = vpow2.f32 v15;
	v17 =	vmul.f32 $1.442695020e+00, v17  }
0x13d: {  	(erf) = vrcp.f32 v59  }
0x13e: {  	(erf) = vpow2.f32 v17;
	_ =	sdelay $0x5  }
0x13f: {  	v61 =	vpop (erf)  }
0x140: {  	v20 =	vpop (erf)  }
0x141: {  	v60 =	vmul.f32 v10, v10;
	v63 =	vld [tilespmem:s0+$0x2000];
	v21 =	vadd.f32 $2.000000000e+00, v20;
	v22 =	vpop (erf)  }
0x142: {  	v6 =	vmul.f32 v12, v6;
	v11 =	vsub.f32 v11, v13;
	v32 =	vld [tilespmem:s31+$0x2000];
	v14 =	vmul.f32 v14, v8;
	v62 =	vpop (erf)  }
0x143: {  	v44 =	vld [tilespmem:s28+$0x2000];
	v19 =	vmul.f32 $2.222222240e-01, v60;
	(erf) = vrcp.f32 v21;
	v23 =	vadd.f32 $2.000000000e+00, v62  }
0x144: {  	v54 =	vld [tilespmem:s29+$0x2000];
	v6 =	vadd.f32 v6, v11  }
0x145: {  	v14 =	vadd.f32 $6.666666860e-01, v14;
	v19 =	vadd.f32 $2.857142980e-01, v19;
	(erf) = vrcp.f32 v23  }
0x146: {  	v30 =	vmax.f32 v4, $0.0e+00;
	v38 =	vmax.f32 v3, $0.0e+00;
	v9 =	vmul.f32 v61, v9  }
0x147: {  	v0 =	vadd.f32 v6, v0;
	v25 =	vmul.f32 v14, v8;
	v19 =	vmul.f32 v19, v60  }
0x148: {  	vm0 =	vge.f32 v63, $5.000000000e-01;
	v26 =	vmul.f32 v9, v9;
	v29 =	vmul.f32 v22, v18  }
0x149: {  	vm11 =	vge.f32 v32, $5.000000000e-01;
	vm12 =	vge.f32 v44, $5.000000000e-01;
	vm13 =	vge.f32 v54, $5.000000000e-01  }
0x14a: {  	v24 =	vadd.f32 $4.000000060e-01, v19;
	v28 =	vmul.f32 $2.222222240e-01, v26;
	v34 =	vmul.f32 v29, v29  }
0x14b: {  	v59 =	vmax.f32 v2, $0.0e+00;
	v31 =	vnsel vm0, $0x0, v4;
	v8 =	vadd.f32 $2.000000000e+00, v25  }
0x14c: {  	v27 =	vmul.f32 v24, v60;
	v33 =	vadd.f32 $2.857142980e-01, v28;
	v39 =	vmul.f32 $2.222222240e-01, v34;
	v35 =	vpop (erf)  }
0x14d: {  	v3 =	vnsel vm11, $0x0, v3;
	v7 =	vmul.f32 v8, v7;
	v37 =	vmul.f32 v35, v20  }
0x14e: {  	v11 =	vadd.f32 $6.666666860e-01, v27;
	v36 =	vmul.f32 v33, v26;
	v42 =	vadd.f32 $2.857142980e-01, v39;
	v41 =	vpop (erf)  }
0x14f: {  	v4 =	vsub.f32 v30, v31;
	v40 =	vmul.f32 v37, v37;
	v43 =	vmul.f32 v41, v62  }
0x150: {  	v11 =	vmul.f32 v11, v60;
	v6 =	vadd.f32 $4.000000060e-01, v36;
	v46 =	vmul.f32 v42, v34  }
0x151: {  	v3 =	vsub.f32 v38, v3;
	v45 =	vmul.f32 $2.222222240e-01, v40;
	v47 =	vmul.f32 v43, v43  }
0x152: {  	v4 =	vadd.f32 v7, v4;
	v11 =	vadd.f32 $2.000000000e+00, v11;
	v6 =	vmul.f32 v6, v26  }
0x153: {  	v50 =	vadd.f32 $4.000000060e-01, v46;
	v49 =	vadd.f32 $2.857142980e-01, v45;
	v51 =	vmul.f32 $2.222222240e-01, v47  }
0x154: {  	v0 =	vadd.f32 v4, v0;
	v48 =	vmul.f32 v11, v10;
	v6 =	vadd.f32 $6.666666860e-01, v6  }
0x155: {  	v4 =	vmul.f32 v50, v34;
	v52 =	vmul.f32 v49, v40;
	v7 =	vadd.f32 $2.857142980e-01, v51  }
0x156: {  	v53 =	vnsel vm12, $0x0, v1;
	v3 =	vadd.f32 v48, v3;
	v6 =	vmul.f32 v6, v26  }
0x157: {  	v4 =	vadd.f32 $6.666666860e-01, v4;
	v10 =	vadd.f32 $4.000000060e-01, v52;
	v7 =	vmul.f32 v7, v47  }
0x158: {  	v1 =	vmax.f32 v1, $0.0e+00;
	v0 =	vadd.f32 v3, v0;
	v6 =	vadd.f32 $2.000000000e+00, v6  }
0x159: {  	v57 =	vld [tilespmem:s30+$0x2000];
	v3 =	vmul.f32 v4, v34;
	v55 =	vmul.f32 v10, v40;
	v56 =	vadd.f32 $4.000000060e-01, v7  }
0x15a: {  	v2 =	vnsel vm13, $0x0, v2;
	v1 =	vsub.f32 v1, v53;
	v6 =	vmul.f32 v6, v9  }
0x15b: {  	v60 =	vld [tilespmem:s23+$0x2000];
	v3 =	vadd.f32 $2.000000000e+00, v3;
	v58 =	vadd.f32 $6.666666860e-01, v55;
	v4 =	vmul.f32 v56, v47  }
0x15c: {  	v2 =	vsub.f32 v59, v2;
	v1 =	vadd.f32 v6, v1  }
0x15d: {  	v3 =	vmul.f32 v3, v29;
	v7 =	vmul.f32 v58, v40;
	v4 =	vadd.f32 $6.666666860e-01, v4  }
0x15e: {  	vm14 =	vge.f32 v57, $5.000000000e-01;
	v0 =	vadd.f32 v1, v0  }
0x15f: {  	v2 =	vadd.f32 v3, v2;
	v1 =	vadd.f32 $2.000000000e+00, v7;
	v3 =	vmul.f32 v4, v47  }
0x160: {  	v61 =	vmax.f32 v5, $0.0e+00;
	vm15 =	vge.f32 v60, $5.000000000e-01;
	v62 =	vnsel vm14, $0x0, v5  }
0x161: {  	s26 =	sadd.s32 $0x1, s26;
	v1 =	vmul.f32 v1, v37;
	v4 =	vsub.f32 v61, v62;
	v3 =	vadd.f32 $2.000000000e+00, v3  }
0x162: {  	p0 =	sne.s32 s26, $0x10;
	v63 =	vnsel vm15, $0x0, v16;
	v0 =	vadd.f32 v2, v0;
	v2 =	vmax.f32 v16, $0.0e+00  }
.Ltmp5:
0x163: {  	v2 =	vsub.f32 v2, v63;
	v1 =	vadd.f32 v1, v4;
	v3 =	vmul.f32 v3, v43;
	(pc) =	sbr.rel @p0 .LBB2_10-.Ltmp5, $3  }
0x164: {  	_ = 	snop  }
0x165: {  	v0 =	vadd.f32 v1, v0;
	v1 =	vadd.f32 v3, v2;
	_ =	sdelay $0x1  }
0x166: {  	v0 =	vadd.f32 v1, v0  }
0x167: {  	s25 =	simm.s32 $0x0  }
0x168: {  	[tilespmem:s25], [sflag:$0x1] =	stream.linear.gather [hbm4b:s9+s25], $0x2000, $0x38;
	[tilespmem:$0x4080] =	vst v63  }
0x169: {  	_ =	swait.ge [sflag:s21], $0x2000  }
0x16a: {  	[sflag:s21] =	ssyncset.done $0x0  }
0x16b: {  	[sflag:s21] =	ssyncadd.s32 $0xFFFFE000  }
0x16c: {  	[tilespmem:s22], [sflag:$0x1] =	stream.linear.gather [hbm4b:s10+s25], $0x2000, $0x38;
	[tilespmem:$0x4080] =	vst v63  }
0x16d: {  	_ =	swait.ge [sflag:s21], $0x2000  }
0x16e: {  	[sflag:s21] =	ssyncset.done $0x0  }
0x16f: {  	s26 =	simm.s32 $0x0;
	[sflag:s21] =	ssyncadd.s32 $0xFFFFE000  }
.LBB2_14:
0x170: {  	s0 =	sshll.u32 s26, $0x9;
	s1 =	sshll.u32 s26, $0x7  }
0x171: {  	s0 =	sand.u32 $0x1000, s0;
	s1 =	sand.u32 $0x380, s1  }
0x172: {  	s4 =	sand.u32 $0xC00, s25;
	s1 =	sor.u32 s0, s1  }
0x173: {  	s3 =	sand.u32 $0x70, s25;
	s0 =	sor.u32 s4, s1  }
0x174: {  	s3 =	sor.u32 s3, s0  }
0x175: {  	v13 =	vld [tilespmem:s3+$0x0];
	_ =	sdelay $0x4  }
0x176: {  	v1 =	vand.u32 $0x7FFFFFFF, v13  }
0x177: {  	s5 =	simm.s32 $0x80;
	v1 =	vsub.f32 $0.0e+00, v1  }
0x178: {  	s4 =	simm.s32 $0x10;
	s0 =	sand.u32 $0xC00, s5  }
0x179: {  	s4 =	sand.u32 $0x70, s4;
	s0 =	sor.u32 s0, s1;
	v1 =	vmul.f32 $1.442695020e+00, v1  }
0x17a: {  	s0 =	sor.u32 s4, s0  }
0x17b: {  	v4 =	vld [tilespmem:s0+$0x0];
	(erf) = vpow2.f32 v1;
	_ =	sdelay $0x2  }
0x17c: {  	s23 =	simm.s32 $0x100  }
0x17d: {  	s5 =	simm.s32 $0x20;
	s4 =	sand.u32 $0xC00, s23  }
0x17e: {  	s5 =	sand.u32 $0x70, s5;
	s4 =	sor.u32 s4, s1;
	v1 =	vand.u32 $0x7FFFFFFF, v4  }
0x17f: {  	s31 =	sor.u32 s5, s4;
	v1 =	vsub.f32 $0.0e+00, v1  }
0x180: {  	v3 =	vld [tilespmem:s31+$0x0]  }
0x181: {  	v1 =	vmul.f32 $1.442695020e+00, v1  }
0x182: {  	v2 =	vpop (erf)  }
0x183: {  	(erf) = vpow2.f32 v1;
	v1 =	vadd.f32 $2.000000000e+00, v2;
	_ =	sdelay $0x1  }
0x184: {  	(erf) = vrcp.f32 v1;
	v1 =	vand.u32 $0x7FFFFFFF, v3  }
0x185: {  	v1 =	vsub.f32 $0.0e+00, v1;
	_ =	sdelay $0x1  }
0x186: {  	s5 =	simm.s32 $0x180;
	v5 =	vmul.f32 $1.442695020e+00, v1  }
0x187: {  	s23 =	simm.s32 $0x30;
	s4 =	sand.u32 $0xC00, s5  }
0x188: {  	s5 =	sand.u32 $0x70, s23;
	s4 =	sor.u32 s4, s1  }
0x189: {  	s28 =	sor.u32 s5, s4  }
0x18a: {  	v1 =	vld [tilespmem:s28+$0x0];
	(erf) = vpow2.f32 v5;
	v5 =	vpop (erf)  }
0x18b: {  	v6 =	vadd.f32 $2.000000000e+00, v5;
	_ =	sdelay $0x3  }
0x18c: {  	v7 =	vand.u32 $0x7FFFFFFF, v1;
	(erf) = vrcp.f32 v6;
	v6 =	vpop (erf)  }
0x18d: {  	s5 =	simm.s32 $0x200;
	v6 =	vmul.f32 v6, v2;
	v2 =	vsub.f32 $0.0e+00, v7  }
0x18e: {  	s23 =	simm.s32 $0x40;
	s4 =	sand.u32 $0xC00, s5  }
0x18f: {  	s5 =	sand.u32 $0x70, s23;
	s4 =	sor.u32 s4, s1;
	v10 =	vmul.f32 v6, v6;
	v7 =	vmul.f32 $1.442695020e+00, v2  }
0x190: {  	s29 =	sor.u32 s5, s4;
	v12 =	vpop (erf)  }
0x191: {  	v2 =	vld [tilespmem:s29+$0x0];
	v8 =	vmul.f32 $2.222222240e-01, v10;
	(erf) = vpow2.f32 v7;
	v7 =	vadd.f32 $2.000000000e+00, v12;
	_ =	sdelay $0x1  }
0x192: {  	v8 =	vadd.f32 $2.857142980e-01, v8;
	_ =	sdelay $0x1  }
0x193: {  	s5 =	simm.s32 $0x280;
	(erf) = vrcp.f32 v7;
	v7 =	vpop (erf);
	v8 =	vmul.f32 v8, v10  }
0x194: {  	s23 =	simm.s32 $0x50;
	s4 =	sand.u32 $0xC00, s5;
	v7 =	vmul.f32 v7, v5;
	v5 =	vand.u32 $0x7FFFFFFF, v2  }
0x195: {  	s5 =	sand.u32 $0x70, s23;
	s4 =	sor.u32 s4, s1;
	v9 =	vadd.f32 $4.000000060e-01, v8;
	v11 =	vsub.f32 $0.0e+00, v5  }
0x196: {  	v16 =	vld [tilespmem:s3+$0x2000];
	s30 =	sor.u32 s5, s4  }
0x197: {  	v5 =	vld [tilespmem:s30+$0x0];
	v8 =	vmul.f32 v7, v7;
	v11 =	vmul.f32 $1.442695020e+00, v11  }
0x198: {  	v14 =	vmul.f32 v9, v10  }
0x199: {  	v15 =	vmul.f32 $2.222222240e-01, v8;
	v9 =	vpop (erf);
	(erf) = vpow2.f32 v11  }
0x19a: {  	v14 =	vadd.f32 $6.666666860e-01, v14  }
0x19b: {  	v17 =	vadd.f32 $2.000000000e+00, v9;
	v15 =	vadd.f32 $2.857142980e-01, v15  }
0x19c: {  	s3 =	simm.s32 $0x300;
	vm0 =	vge.f32 v16, $5.000000000e-01;
	v18 =	vand.u32 $0x7FFFFFFF, v5;
	v14 =	vmul.f32 v14, v10  }
0x19d: {  	s23 =	sand.u32 $0xC00, s3;
	s5 =	simm.s32 $0x60;
	v18 =	vsub.f32 $0.0e+00, v18;
	v10 =	vpop (erf);
	(erf) = vrcp.f32 v17;
	v17 =	vmul.f32 v15, v8  }
0x19e: {  	s4 =	sand.u32 $0x70, s5;
	s5 =	sor.u32 s23, s1;
	v11 =	vmax.f32 v13, $0.0e+00;
	v10 =	vmul.f32 v10, v12;
	v12 =	vadd.f32 $2.000000000e+00, v14  }
0x19f: {  	s23 =	sor.u32 s4, s5;
	s4 =	simm.s32 $0x70;
	v13 =	vnsel vm0, $0x0, v13;
	v15 =	vmul.f32 $1.442695020e+00, v18;
	v14 =	vadd.f32 $4.000000060e-01, v17  }
.LBB2_15:
0x1a0: {  	p0 =	sne.s32 s4, $0x1F0;
	v16 =	vld [tilespmem:s23+$0x0];
	v17 =	vmul.f32 v10, v10;
	v12 =	vmul.f32 v12, v6;
	v11 =	vsub.f32 v11, v13;
	v18 =	vmovc v1  }
0x1a1: {  	v1 =	vmovc v2;
	v2 =	vmovc v5;
	v6 =	vmov v7;
	v7 =	vmov v10;
	v13 =	vmul.f32 v14, v8  }
0x1a2: {  	(erf) = vpow2.f32 v15;
	v14 =	vpop (erf);
	v20 =	vmul.f32 $2.222222240e-01, v17;
	v15 =	vld [tilespmem:s0+$0x2000];
	v10 =	vadd.f32 v12, v11;
	s0 =	smov.u32 s31;
	s31 =	smov.u32 s28;
	s28 =	smov.u32 s29  }
0x1a3: {  	s29 =	smov.u32 s30;
	s30 =	smov.u32 s23;
	v12 =	vadd.f32 $2.000000000e+00, v14;
	v11 =	vadd.f32 $6.666666860e-01, v13  }
.Ltmp6:
0x1a4: {  	v13 =	vadd.f32 $2.857142980e-01, v20;
	v0 =	vadd.f32 v10, v0;
	(pc) =	sbr.rel @p0 .LBB2_15-.Ltmp6, $4  }
0x1a5: {  	s3 =	sadd.s32 $0x80, s3;
	v20 =	vand.u32 $0x7FFFFFFF, v16;
	v19 =	vmul.f32 v11, v8;
	v11 =	vmax.f32 v4, $0.0e+00;
	v5 =	vmovc v16;
	v8 =	vmovc v17  }
0x1a6: {  	s5 =	sand.u32 $0xC00, s3;
	v16 =	vsub.f32 $0.0e+00, v20;
	(erf) = vrcp.f32 v12;
	v10 =	vpop (erf);
	v13 =	vmul.f32 v13, v8  }
0x1a7: {  	s23 =	sand.u32 $0x70, s4;
	s5 =	sor.u32 s5, s1;
	v10 =	vmul.f32 v10, v9;
	v12 =	vadd.f32 $2.000000000e+00, v19;
	vm0 =	vge.f32 v15, $5.000000000e-01;
	v9 =	vmovc v14  }
0x1a8: {  	s4 =	sadd.s32 $0x10, s4;
	s23 =	sor.u32 s23, s5;
	v15 =	vmul.f32 $1.442695020e+00, v16;
	v14 =	vadd.f32 $4.000000060e-01, v13;
	v13 =	vnsel vm0, $0x0, v4;
	v4 =	vmovc v3;
	v3 =	vmovc v18  }
0x1a9: {  	v16 =	vld [tilespmem:s23+$0x0];
	_ =	sdelay $0x4  }
0x1aa: {  	v17 =	vand.u32 $0x7FFFFFFF, v16  }
0x1ab: {  	v18 =	vpop (erf);
	v17 =	vsub.f32 $0.0e+00, v17  }
0x1ac: {  	v59 =	vadd.f32 $2.000000000e+00, v18  }
0x1ad: {  	(erf) = vpow2.f32 v15;
	v17 =	vmul.f32 $1.442695020e+00, v17  }
0x1ae: {  	(erf) = vrcp.f32 v59  }
0x1af: {  	(erf) = vpow2.f32 v17;
	_ =	sdelay $0x5  }
0x1b0: {  	v61 =	vpop (erf)  }
0x1b1: {  	v20 =	vpop (erf)  }
0x1b2: {  	v60 =	vmul.f32 v10, v10;
	v63 =	vld [tilespmem:s0+$0x2000];
	v21 =	vadd.f32 $2.000000000e+00, v20;
	v22 =	vpop (erf)  }
0x1b3: {  	v6 =	vmul.f32 v12, v6;
	v11 =	vsub.f32 v11, v13;
	v32 =	vld [tilespmem:s31+$0x2000];
	v14 =	vmul.f32 v14, v8;
	v62 =	vpop (erf)  }
0x1b4: {  	v44 =	vld [tilespmem:s28+$0x2000];
	v19 =	vmul.f32 $2.222222240e-01, v60;
	(erf) = vrcp.f32 v21;
	v23 =	vadd.f32 $2.000000000e+00, v62  }
0x1b5: {  	v54 =	vld [tilespmem:s29+$0x2000];
	v6 =	vadd.f32 v6, v11  }
0x1b6: {  	v14 =	vadd.f32 $6.666666860e-01, v14;
	v19 =	vadd.f32 $2.857142980e-01, v19;
	(erf) = vrcp.f32 v23  }
0x1b7: {  	v30 =	vmax.f32 v4, $0.0e+00;
	v38 =	vmax.f32 v3, $0.0e+00;
	v9 =	vmul.f32 v61, v9  }
0x1b8: {  	v0 =	vadd.f32 v6, v0;
	v25 =	vmul.f32 v14, v8;
	v19 =	vmul.f32 v19, v60  }
0x1b9: {  	vm0 =	vge.f32 v63, $5.000000000e-01;
	v26 =	vmul.f32 v9, v9;
	v29 =	vmul.f32 v22, v18  }
0x1ba: {  	vm11 =	vge.f32 v32, $5.000000000e-01;
	vm12 =	vge.f32 v44, $5.000000000e-01;
	vm13 =	vge.f32 v54, $5.000000000e-01  }
0x1bb: {  	v24 =	vadd.f32 $4.000000060e-01, v19;
	v28 =	vmul.f32 $2.222222240e-01, v26;
	v34 =	vmul.f32 v29, v29  }
0x1bc: {  	v59 =	vmax.f32 v2, $0.0e+00;
	v31 =	vnsel vm0, $0x0, v4;
	v8 =	vadd.f32 $2.000000000e+00, v25  }
0x1bd: {  	v27 =	vmul.f32 v24, v60;
	v33 =	vadd.f32 $2.857142980e-01, v28;
	v39 =	vmul.f32 $2.222222240e-01, v34;
	v35 =	vpop (erf)  }
0x1be: {  	v3 =	vnsel vm11, $0x0, v3;
	v7 =	vmul.f32 v8, v7;
	v37 =	vmul.f32 v35, v20  }
0x1bf: {  	v11 =	vadd.f32 $6.666666860e-01, v27;
	v36 =	vmul.f32 v33, v26;
	v42 =	vadd.f32 $2.857142980e-01, v39;
	v41 =	vpop (erf)  }
0x1c0: {  	v4 =	vsub.f32 v30, v31;
	v40 =	vmul.f32 v37, v37;
	v43 =	vmul.f32 v41, v62  }
0x1c1: {  	v11 =	vmul.f32 v11, v60;
	v6 =	vadd.f32 $4.000000060e-01, v36;
	v46 =	vmul.f32 v42, v34  }
0x1c2: {  	v3 =	vsub.f32 v38, v3;
	v45 =	vmul.f32 $2.222222240e-01, v40;
	v47 =	vmul.f32 v43, v43  }
0x1c3: {  	v4 =	vadd.f32 v7, v4;
	v11 =	vadd.f32 $2.000000000e+00, v11;
	v6 =	vmul.f32 v6, v26  }
0x1c4: {  	v50 =	vadd.f32 $4.000000060e-01, v46;
	v49 =	vadd.f32 $2.857142980e-01, v45;
	v51 =	vmul.f32 $2.222222240e-01, v47  }
0x1c5: {  	v0 =	vadd.f32 v4, v0;
	v48 =	vmul.f32 v11, v10;
	v6 =	vadd.f32 $6.666666860e-01, v6  }
0x1c6: {  	v4 =	vmul.f32 v50, v34;
	v52 =	vmul.f32 v49, v40;
	v7 =	vadd.f32 $2.857142980e-01, v51  }
0x1c7: {  	v53 =	vnsel vm12, $0x0, v1;
	v3 =	vadd.f32 v48, v3;
	v6 =	vmul.f32 v6, v26  }
0x1c8: {  	v4 =	vadd.f32 $6.666666860e-01, v4;
	v10 =	vadd.f32 $4.000000060e-01, v52;
	v7 =	vmul.f32 v7, v47  }
0x1c9: {  	v1 =	vmax.f32 v1, $0.0e+00;
	v0 =	vadd.f32 v3, v0;
	v6 =	vadd.f32 $2.000000000e+00, v6  }
0x1ca: {  	v57 =	vld [tilespmem:s30+$0x2000];
	v3 =	vmul.f32 v4, v34;
	v55 =	vmul.f32 v10, v40;
	v56 =	vadd.f32 $4.000000060e-01, v7  }
0x1cb: {  	v2 =	vnsel vm13, $0x0, v2;
	v1 =	vsub.f32 v1, v53;
	v6 =	vmul.f32 v6, v9  }
0x1cc: {  	v60 =	vld [tilespmem:s23+$0x2000];
	v3 =	vadd.f32 $2.000000000e+00, v3;
	v58 =	vadd.f32 $6.666666860e-01, v55;
	v4 =	vmul.f32 v56, v47  }
0x1cd: {  	v2 =	vsub.f32 v59, v2;
	v1 =	vadd.f32 v6, v1  }
0x1ce: {  	v3 =	vmul.f32 v3, v29;
	v7 =	vmul.f32 v58, v40;
	v4 =	vadd.f32 $6.666666860e-01, v4  }
0x1cf: {  	vm14 =	vge.f32 v57, $5.000000000e-01;
	v0 =	vadd.f32 v1, v0  }
0x1d0: {  	v2 =	vadd.f32 v3, v2;
	v1 =	vadd.f32 $2.000000000e+00, v7;
	v3 =	vmul.f32 v4, v47  }
0x1d1: {  	v61 =	vmax.f32 v5, $0.0e+00;
	vm15 =	vge.f32 v60, $5.000000000e-01;
	v62 =	vnsel vm14, $0x0, v5  }
0x1d2: {  	s26 =	sadd.s32 $0x1, s26;
	v1 =	vmul.f32 v1, v37;
	v4 =	vsub.f32 v61, v62;
	v3 =	vadd.f32 $2.000000000e+00, v3  }
0x1d3: {  	p0 =	sne.s32 s26, $0x10;
	v63 =	vnsel vm15, $0x0, v16;
	v0 =	vadd.f32 v2, v0;
	v2 =	vmax.f32 v16, $0.0e+00  }
.Ltmp7:
0x1d4: {  	v2 =	vsub.f32 v2, v63;
	v1 =	vadd.f32 v1, v4;
	v3 =	vmul.f32 v3, v43;
	(pc) =	sbr.rel @p0 .LBB2_14-.Ltmp7, $3  }
0x1d5: {  	_ = 	snop  }
0x1d6: {  	v0 =	vadd.f32 v1, v0;
	v1 =	vadd.f32 v3, v2;
	_ =	sdelay $0x1  }
0x1d7: {  	v0 =	vadd.f32 v1, v0  }
0x1d8: {  	s25 =	simm.s32 $0x0  }
0x1d9: {  	[tilespmem:s25], [sflag:$0x1] =	stream.linear.gather [hbm4b:s11+s25], $0x2000, $0x38;
	[tilespmem:$0x4080] =	vst v63  }
0x1da: {  	_ =	swait.ge [sflag:s21], $0x2000  }
0x1db: {  	[sflag:s21] =	ssyncset.done $0x0  }
0x1dc: {  	[sflag:s21] =	ssyncadd.s32 $0xFFFFE000  }
0x1dd: {  	[tilespmem:s22], [sflag:$0x1] =	stream.linear.gather [hbm4b:s12+s25], $0x2000, $0x38;
	[tilespmem:$0x4080] =	vst v63  }
0x1de: {  	_ =	swait.ge [sflag:s21], $0x2000  }
0x1df: {  	[sflag:s21] =	ssyncset.done $0x0  }
0x1e0: {  	s26 =	simm.s32 $0x0;
	[sflag:s21] =	ssyncadd.s32 $0xFFFFE000  }
.LBB2_18:
0x1e1: {  	s0 =	sshll.u32 s26, $0x9;
	s1 =	sshll.u32 s26, $0x7  }
0x1e2: {  	s0 =	sand.u32 $0x1000, s0;
	s1 =	sand.u32 $0x380, s1  }
0x1e3: {  	s4 =	sand.u32 $0xC00, s25;
	s1 =	sor.u32 s0, s1  }
0x1e4: {  	s3 =	sand.u32 $0x70, s25;
	s0 =	sor.u32 s4, s1  }
0x1e5: {  	s3 =	sor.u32 s3, s0  }
0x1e6: {  	v13 =	vld [tilespmem:s3+$0x0];
	_ =	sdelay $0x4  }
0x1e7: {  	v1 =	vand.u32 $0x7FFFFFFF, v13  }
0x1e8: {  	s5 =	simm.s32 $0x80;
	v1 =	vsub.f32 $0.0e+00, v1  }
0x1e9: {  	s4 =	simm.s32 $0x10;
	s0 =	sand.u32 $0xC00, s5  }
0x1ea: {  	s4 =	sand.u32 $0x70, s4;
	s0 =	sor.u32 s0, s1;
	v1 =	vmul.f32 $1.442695020e+00, v1  }
0x1eb: {  	s0 =	sor.u32 s4, s0  }
0x1ec: {  	v4 =	vld [tilespmem:s0+$0x0];
	(erf) = vpow2.f32 v1;
	_ =	sdelay $0x2  }
0x1ed: {  	s23 =	simm.s32 $0x100  }
0x1ee: {  	s5 =	simm.s32 $0x20;
	s4 =	sand.u32 $0xC00, s23  }
0x1ef: {  	s5 =	sand.u32 $0x70, s5;
	s4 =	sor.u32 s4, s1;
	v1 =	vand.u32 $0x7FFFFFFF, v4  }
0x1f0: {  	s31 =	sor.u32 s5, s4;
	v1 =	vsub.f32 $0.0e+00, v1  }
0x1f1: {  	v3 =	vld [tilespmem:s31+$0x0]  }
0x1f2: {  	v1 =	vmul.f32 $1.442695020e+00, v1  }
0x1f3: {  	v2 =	vpop (erf)  }
0x1f4: {  	(erf) = vpow2.f32 v1;
	v1 =	vadd.f32 $2.000000000e+00, v2;
	_ =	sdelay $0x1  }
0x1f5: {  	(erf) = vrcp.f32 v1;
	v1 =	vand.u32 $0x7FFFFFFF, v3  }
0x1f6: {  	v1 =	vsub.f32 $0.0e+00, v1;
	_ =	sdelay $0x1  }
0x1f7: {  	s5 =	simm.s32 $0x180;
	v5 =	vmul.f32 $1.442695020e+00, v1  }
0x1f8: {  	s23 =	simm.s32 $0x30;
	s4 =	sand.u32 $0xC00, s5  }
0x1f9: {  	s5 =	sand.u32 $0x70, s23;
	s4 =	sor.u32 s4, s1  }
0x1fa: {  	s28 =	sor.u32 s5, s4  }
0x1fb: {  	v1 =	vld [tilespmem:s28+$0x0];
	(erf) = vpow2.f32 v5;
	v5 =	vpop (erf)  }
0x1fc: {  	v6 =	vadd.f32 $2.000000000e+00, v5;
	_ =	sdelay $0x3  }
0x1fd: {  	v7 =	vand.u32 $0x7FFFFFFF, v1;
	(erf) = vrcp.f32 v6;
	v6 =	vpop (erf)  }
0x1fe: {  	s5 =	simm.s32 $0x200;
	v6 =	vmul.f32 v6, v2;
	v2 =	vsub.f32 $0.0e+00, v7  }
0x1ff: {  	s23 =	simm.s32 $0x40;
	s4 =	sand.u32 $0xC00, s5  }
0x200: {  	s5 =	sand.u32 $0x70, s23;
	s4 =	sor.u32 s4, s1;
	v10 =	vmul.f32 v6, v6;
	v7 =	vmul.f32 $1.442695020e+00, v2  }
0x201: {  	s29 =	sor.u32 s5, s4;
	v12 =	vpop (erf)  }
0x202: {  	v2 =	vld [tilespmem:s29+$0x0];
	v8 =	vmul.f32 $2.222222240e-01, v10;
	(erf) = vpow2.f32 v7;
	v7 =	vadd.f32 $2.000000000e+00, v12;
	_ =	sdelay $0x1  }
0x203: {  	v8 =	vadd.f32 $2.857142980e-01, v8;
	_ =	sdelay $0x1  }
0x204: {  	s5 =	simm.s32 $0x280;
	(erf) = vrcp.f32 v7;
	v7 =	vpop (erf);
	v8 =	vmul.f32 v8, v10  }
0x205: {  	s23 =	simm.s32 $0x50;
	s4 =	sand.u32 $0xC00, s5;
	v7 =	vmul.f32 v7, v5;
	v5 =	vand.u32 $0x7FFFFFFF, v2  }
0x206: {  	s5 =	sand.u32 $0x70, s23;
	s4 =	sor.u32 s4, s1;
	v9 =	vadd.f32 $4.000000060e-01, v8;
	v11 =	vsub.f32 $0.0e+00, v5  }
0x207: {  	v16 =	vld [tilespmem:s3+$0x2000];
	s30 =	sor.u32 s5, s4  }
0x208: {  	v5 =	vld [tilespmem:s30+$0x0];
	v8 =	vmul.f32 v7, v7;
	v11 =	vmul.f32 $1.442695020e+00, v11  }
0x209: {  	v14 =	vmul.f32 v9, v10  }
0x20a: {  	v15 =	vmul.f32 $2.222222240e-01, v8;
	v9 =	vpop (erf);
	(erf) = vpow2.f32 v11  }
0x20b: {  	v14 =	vadd.f32 $6.666666860e-01, v14  }
0x20c: {  	v17 =	vadd.f32 $2.000000000e+00, v9;
	v15 =	vadd.f32 $2.857142980e-01, v15  }
0x20d: {  	s3 =	simm.s32 $0x300;
	vm0 =	vge.f32 v16, $5.000000000e-01;
	v18 =	vand.u32 $0x7FFFFFFF, v5;
	v14 =	vmul.f32 v14, v10  }
0x20e: {  	s23 =	sand.u32 $0xC00, s3;
	s5 =	simm.s32 $0x60;
	v18 =	vsub.f32 $0.0e+00, v18;
	v10 =	vpop (erf);
	(erf) = vrcp.f32 v17;
	v17 =	vmul.f32 v15, v8  }
0x20f: {  	s4 =	sand.u32 $0x70, s5;
	s5 =	sor.u32 s23, s1;
	v11 =	vmax.f32 v13, $0.0e+00;
	v10 =	vmul.f32 v10, v12;
	v12 =	vadd.f32 $2.000000000e+00, v14  }
0x210: {  	s23 =	sor.u32 s4, s5;
	s4 =	simm.s32 $0x70;
	v13 =	vnsel vm0, $0x0, v13;
	v15 =	vmul.f32 $1.442695020e+00, v18;
	v14 =	vadd.f32 $4.000000060e-01, v17  }
.LBB2_19:
0x211: {  	p0 =	sne.s32 s4, $0x1F0;
	v16 =	vld [tilespmem:s23+$0x0];
	v17 =	vmul.f32 v10, v10;
	v12 =	vmul.f32 v12, v6;
	v11 =	vsub.f32 v11, v13;
	v18 =	vmovc v1  }
0x212: {  	v1 =	vmovc v2;
	v2 =	vmovc v5;
	v6 =	vmov v7;
	v7 =	vmov v10;
	v13 =	vmul.f32 v14, v8  }
0x213: {  	(erf) = vpow2.f32 v15;
	v14 =	vpop (erf);
	v20 =	vmul.f32 $2.222222240e-01, v17;
	v15 =	vld [tilespmem:s0+$0x2000];
	v10 =	vadd.f32 v12, v11;
	s0 =	smov.u32 s31;
	s31 =	smov.u32 s28;
	s28 =	smov.u32 s29  }
0x214: {  	s29 =	smov.u32 s30;
	s30 =	smov.u32 s23;
	v12 =	vadd.f32 $2.000000000e+00, v14;
	v11 =	vadd.f32 $6.666666860e-01, v13  }
.Ltmp8:
0x215: {  	v13 =	vadd.f32 $2.857142980e-01, v20;
	v0 =	vadd.f32 v10, v0;
	(pc) =	sbr.rel @p0 .LBB2_19-.Ltmp8, $4  }
0x216: {  	s3 =	sadd.s32 $0x80, s3;
	v20 =	vand.u32 $0x7FFFFFFF, v16;
	v19 =	vmul.f32 v11, v8;
	v11 =	vmax.f32 v4, $0.0e+00;
	v5 =	vmovc v16;
	v8 =	vmovc v17  }
0x217: {  	s5 =	sand.u32 $0xC00, s3;
	v16 =	vsub.f32 $0.0e+00, v20;
	(erf) = vrcp.f32 v12;
	v10 =	vpop (erf);
	v13 =	vmul.f32 v13, v8  }
0x218: {  	s23 =	sand.u32 $0x70, s4;
	s5 =	sor.u32 s5, s1;
	v10 =	vmul.f32 v10, v9;
	v12 =	vadd.f32 $2.000000000e+00, v19;
	vm0 =	vge.f32 v15, $5.000000000e-01;
	v9 =	vmovc v14  }
0x219: {  	s4 =	sadd.s32 $0x10, s4;
	s23 =	sor.u32 s23, s5;
	v15 =	vmul.f32 $1.442695020e+00, v16;
	v14 =	vadd.f32 $4.000000060e-01, v13;
	v13 =	vnsel vm0, $0x0, v4;
	v4 =	vmovc v3;
	v3 =	vmovc v18  }
0x21a: {  	v16 =	vld [tilespmem:s23+$0x0];
	_ =	sdelay $0x4  }
0x21b: {  	v17 =	vand.u32 $0x7FFFFFFF, v16  }
0x21c: {  	v18 =	vpop (erf);
	v17 =	vsub.f32 $0.0e+00, v17  }
0x21d: {  	v59 =	vadd.f32 $2.000000000e+00, v18  }
0x21e: {  	(erf) = vpow2.f32 v15;
	v17 =	vmul.f32 $1.442695020e+00, v17  }
0x21f: {  	(erf) = vrcp.f32 v59  }
0x220: {  	(erf) = vpow2.f32 v17;
	_ =	sdelay $0x5  }
0x221: {  	v61 =	vpop (erf)  }
0x222: {  	v20 =	vpop (erf)  }
0x223: {  	v60 =	vmul.f32 v10, v10;
	v63 =	vld [tilespmem:s0+$0x2000];
	v21 =	vadd.f32 $2.000000000e+00, v20;
	v22 =	vpop (erf)  }
0x224: {  	v6 =	vmul.f32 v12, v6;
	v11 =	vsub.f32 v11, v13;
	v32 =	vld [tilespmem:s31+$0x2000];
	v14 =	vmul.f32 v14, v8;
	v62 =	vpop (erf)  }
0x225: {  	v44 =	vld [tilespmem:s28+$0x2000];
	v19 =	vmul.f32 $2.222222240e-01, v60;
	(erf) = vrcp.f32 v21;
	v23 =	vadd.f32 $2.000000000e+00, v62  }
0x226: {  	v54 =	vld [tilespmem:s29+$0x2000];
	v6 =	vadd.f32 v6, v11  }
0x227: {  	v14 =	vadd.f32 $6.666666860e-01, v14;
	v19 =	vadd.f32 $2.857142980e-01, v19;
	(erf) = vrcp.f32 v23  }
0x228: {  	v30 =	vmax.f32 v4, $0.0e+00;
	v38 =	vmax.f32 v3, $0.0e+00;
	v9 =	vmul.f32 v61, v9  }
0x229: {  	v0 =	vadd.f32 v6, v0;
	v25 =	vmul.f32 v14, v8;
	v19 =	vmul.f32 v19, v60  }
0x22a: {  	vm0 =	vge.f32 v63, $5.000000000e-01;
	v26 =	vmul.f32 v9, v9;
	v29 =	vmul.f32 v22, v18  }
0x22b: {  	vm11 =	vge.f32 v32, $5.000000000e-01;
	vm12 =	vge.f32 v44, $5.000000000e-01;
	vm13 =	vge.f32 v54, $5.000000000e-01  }
0x22c: {  	v24 =	vadd.f32 $4.000000060e-01, v19;
	v28 =	vmul.f32 $2.222222240e-01, v26;
	v34 =	vmul.f32 v29, v29  }
0x22d: {  	v59 =	vmax.f32 v2, $0.0e+00;
	v31 =	vnsel vm0, $0x0, v4;
	v8 =	vadd.f32 $2.000000000e+00, v25  }
0x22e: {  	v27 =	vmul.f32 v24, v60;
	v33 =	vadd.f32 $2.857142980e-01, v28;
	v39 =	vmul.f32 $2.222222240e-01, v34;
	v35 =	vpop (erf)  }
0x22f: {  	v3 =	vnsel vm11, $0x0, v3;
	v7 =	vmul.f32 v8, v7;
	v37 =	vmul.f32 v35, v20  }
0x230: {  	v11 =	vadd.f32 $6.666666860e-01, v27;
	v36 =	vmul.f32 v33, v26;
	v42 =	vadd.f32 $2.857142980e-01, v39;
	v41 =	vpop (erf)  }
0x231: {  	v4 =	vsub.f32 v30, v31;
	v40 =	vmul.f32 v37, v37;
	v43 =	vmul.f32 v41, v62  }
0x232: {  	v11 =	vmul.f32 v11, v60;
	v6 =	vadd.f32 $4.000000060e-01, v36;
	v46 =	vmul.f32 v42, v34  }
0x233: {  	v3 =	vsub.f32 v38, v3;
	v45 =	vmul.f32 $2.222222240e-01, v40;
	v47 =	vmul.f32 v43, v43  }
0x234: {  	v4 =	vadd.f32 v7, v4;
	v11 =	vadd.f32 $2.000000000e+00, v11;
	v6 =	vmul.f32 v6, v26  }
0x235: {  	v50 =	vadd.f32 $4.000000060e-01, v46;
	v49 =	vadd.f32 $2.857142980e-01, v45;
	v51 =	vmul.f32 $2.222222240e-01, v47  }
0x236: {  	v0 =	vadd.f32 v4, v0;
	v48 =	vmul.f32 v11, v10;
	v6 =	vadd.f32 $6.666666860e-01, v6  }
0x237: {  	v4 =	vmul.f32 v50, v34;
	v52 =	vmul.f32 v49, v40;
	v7 =	vadd.f32 $2.857142980e-01, v51  }
0x238: {  	v53 =	vnsel vm12, $0x0, v1;
	v3 =	vadd.f32 v48, v3;
	v6 =	vmul.f32 v6, v26  }
0x239: {  	v4 =	vadd.f32 $6.666666860e-01, v4;
	v10 =	vadd.f32 $4.000000060e-01, v52;
	v7 =	vmul.f32 v7, v47  }
0x23a: {  	v1 =	vmax.f32 v1, $0.0e+00;
	v0 =	vadd.f32 v3, v0;
	v6 =	vadd.f32 $2.000000000e+00, v6  }
0x23b: {  	v57 =	vld [tilespmem:s30+$0x2000];
	v3 =	vmul.f32 v4, v34;
	v55 =	vmul.f32 v10, v40;
	v56 =	vadd.f32 $4.000000060e-01, v7  }
0x23c: {  	v2 =	vnsel vm13, $0x0, v2;
	v1 =	vsub.f32 v1, v53;
	v6 =	vmul.f32 v6, v9  }
0x23d: {  	v60 =	vld [tilespmem:s23+$0x2000];
	v3 =	vadd.f32 $2.000000000e+00, v3;
	v58 =	vadd.f32 $6.666666860e-01, v55;
	v4 =	vmul.f32 v56, v47  }
0x23e: {  	v2 =	vsub.f32 v59, v2;
	v1 =	vadd.f32 v6, v1  }
0x23f: {  	v3 =	vmul.f32 v3, v29;
	v7 =	vmul.f32 v58, v40;
	v4 =	vadd.f32 $6.666666860e-01, v4  }
0x240: {  	vm14 =	vge.f32 v57, $5.000000000e-01;
	v0 =	vadd.f32 v1, v0  }
0x241: {  	v2 =	vadd.f32 v3, v2;
	v1 =	vadd.f32 $2.000000000e+00, v7;
	v3 =	vmul.f32 v4, v47  }
0x242: {  	v61 =	vmax.f32 v5, $0.0e+00;
	vm15 =	vge.f32 v60, $5.000000000e-01;
	v62 =	vnsel vm14, $0x0, v5  }
0x243: {  	s26 =	sadd.s32 $0x1, s26;
	v1 =	vmul.f32 v1, v37;
	v4 =	vsub.f32 v61, v62;
	v3 =	vadd.f32 $2.000000000e+00, v3  }
0x244: {  	p0 =	sne.s32 s26, $0x10;
	v63 =	vnsel vm15, $0x0, v16;
	v0 =	vadd.f32 v2, v0;
	v2 =	vmax.f32 v16, $0.0e+00  }
.Ltmp9:
0x245: {  	v2 =	vsub.f32 v2, v63;
	v1 =	vadd.f32 v1, v4;
	v3 =	vmul.f32 v3, v43;
	(pc) =	sbr.rel @p0 .LBB2_18-.Ltmp9, $3  }
0x246: {  	_ = 	snop  }
0x247: {  	v0 =	vadd.f32 v1, v0;
	v1 =	vadd.f32 v3, v2;
	_ =	sdelay $0x1  }
0x248: {  	v0 =	vadd.f32 v1, v0  }
0x249: {  	s25 =	simm.s32 $0x0  }
0x24a: {  	[tilespmem:s25], [sflag:$0x1] =	stream.linear.gather [hbm4b:s13+s25], $0x2000, $0x38;
	[tilespmem:$0x4080] =	vst v63  }
0x24b: {  	_ =	swait.ge [sflag:s21], $0x2000  }
0x24c: {  	[sflag:s21] =	ssyncset.done $0x0  }
0x24d: {  	[sflag:s21] =	ssyncadd.s32 $0xFFFFE000  }
0x24e: {  	[tilespmem:s22], [sflag:$0x1] =	stream.linear.gather [hbm4b:s14+s25], $0x2000, $0x38;
	[tilespmem:$0x4080] =	vst v63  }
0x24f: {  	_ =	swait.ge [sflag:s21], $0x2000  }
0x250: {  	[sflag:s21] =	ssyncset.done $0x0  }
0x251: {  	s26 =	simm.s32 $0x0;
	[sflag:s21] =	ssyncadd.s32 $0xFFFFE000  }
.LBB2_22:
0x252: {  	s0 =	sshll.u32 s26, $0x9;
	s1 =	sshll.u32 s26, $0x7  }
0x253: {  	s0 =	sand.u32 $0x1000, s0;
	s1 =	sand.u32 $0x380, s1  }
0x254: {  	s4 =	sand.u32 $0xC00, s25;
	s1 =	sor.u32 s0, s1  }
0x255: {  	s3 =	sand.u32 $0x70, s25;
	s0 =	sor.u32 s4, s1  }
0x256: {  	s3 =	sor.u32 s3, s0  }
0x257: {  	v13 =	vld [tilespmem:s3+$0x0];
	_ =	sdelay $0x4  }
0x258: {  	v1 =	vand.u32 $0x7FFFFFFF, v13  }
0x259: {  	s5 =	simm.s32 $0x80;
	v1 =	vsub.f32 $0.0e+00, v1  }
0x25a: {  	s4 =	simm.s32 $0x10;
	s0 =	sand.u32 $0xC00, s5  }
0x25b: {  	s4 =	sand.u32 $0x70, s4;
	s0 =	sor.u32 s0, s1;
	v1 =	vmul.f32 $1.442695020e+00, v1  }
0x25c: {  	s0 =	sor.u32 s4, s0  }
0x25d: {  	v4 =	vld [tilespmem:s0+$0x0];
	(erf) = vpow2.f32 v1;
	_ =	sdelay $0x2  }
0x25e: {  	s23 =	simm.s32 $0x100  }
0x25f: {  	s5 =	simm.s32 $0x20;
	s4 =	sand.u32 $0xC00, s23  }
0x260: {  	s5 =	sand.u32 $0x70, s5;
	s4 =	sor.u32 s4, s1;
	v1 =	vand.u32 $0x7FFFFFFF, v4  }
0x261: {  	s31 =	sor.u32 s5, s4;
	v1 =	vsub.f32 $0.0e+00, v1  }
0x262: {  	v3 =	vld [tilespmem:s31+$0x0]  }
0x263: {  	v1 =	vmul.f32 $1.442695020e+00, v1  }
0x264: {  	v2 =	vpop (erf)  }
0x265: {  	(erf) = vpow2.f32 v1;
	v1 =	vadd.f32 $2.000000000e+00, v2;
	_ =	sdelay $0x1  }
0x266: {  	(erf) = vrcp.f32 v1;
	v1 =	vand.u32 $0x7FFFFFFF, v3  }
0x267: {  	v1 =	vsub.f32 $0.0e+00, v1;
	_ =	sdelay $0x1  }
0x268: {  	s5 =	simm.s32 $0x180;
	v5 =	vmul.f32 $1.442695020e+00, v1  }
0x269: {  	s23 =	simm.s32 $0x30;
	s4 =	sand.u32 $0xC00, s5  }
0x26a: {  	s5 =	sand.u32 $0x70, s23;
	s4 =	sor.u32 s4, s1  }
0x26b: {  	s28 =	sor.u32 s5, s4  }
0x26c: {  	v1 =	vld [tilespmem:s28+$0x0];
	(erf) = vpow2.f32 v5;
	v5 =	vpop (erf)  }
0x26d: {  	v6 =	vadd.f32 $2.000000000e+00, v5;
	_ =	sdelay $0x3  }
0x26e: {  	v7 =	vand.u32 $0x7FFFFFFF, v1;
	(erf) = vrcp.f32 v6;
	v6 =	vpop (erf)  }
0x26f: {  	s5 =	simm.s32 $0x200;
	v6 =	vmul.f32 v6, v2;
	v2 =	vsub.f32 $0.0e+00, v7  }
0x270: {  	s23 =	simm.s32 $0x40;
	s4 =	sand.u32 $0xC00, s5  }
0x271: {  	s5 =	sand.u32 $0x70, s23;
	s4 =	sor.u32 s4, s1;
	v10 =	vmul.f32 v6, v6;
	v7 =	vmul.f32 $1.442695020e+00, v2  }
0x272: {  	s29 =	sor.u32 s5, s4;
	v12 =	vpop (erf)  }
0x273: {  	v2 =	vld [tilespmem:s29+$0x0];
	v8 =	vmul.f32 $2.222222240e-01, v10;
	(erf) = vpow2.f32 v7;
	v7 =	vadd.f32 $2.000000000e+00, v12;
	_ =	sdelay $0x1  }
0x274: {  	v8 =	vadd.f32 $2.857142980e-01, v8;
	_ =	sdelay $0x1  }
0x275: {  	s5 =	simm.s32 $0x280;
	(erf) = vrcp.f32 v7;
	v7 =	vpop (erf);
	v8 =	vmul.f32 v8, v10  }
0x276: {  	s23 =	simm.s32 $0x50;
	s4 =	sand.u32 $0xC00, s5;
	v7 =	vmul.f32 v7, v5;
	v5 =	vand.u32 $0x7FFFFFFF, v2  }
0x277: {  	s5 =	sand.u32 $0x70, s23;
	s4 =	sor.u32 s4, s1;
	v9 =	vadd.f32 $4.000000060e-01, v8;
	v11 =	vsub.f32 $0.0e+00, v5  }
0x278: {  	v16 =	vld [tilespmem:s3+$0x2000];
	s30 =	sor.u32 s5, s4  }
0x279: {  	v5 =	vld [tilespmem:s30+$0x0];
	v8 =	vmul.f32 v7, v7;
	v11 =	vmul.f32 $1.442695020e+00, v11  }
0x27a: {  	v14 =	vmul.f32 v9, v10  }
0x27b: {  	v15 =	vmul.f32 $2.222222240e-01, v8;
	v9 =	vpop (erf);
	(erf) = vpow2.f32 v11  }
0x27c: {  	v14 =	vadd.f32 $6.666666860e-01, v14  }
0x27d: {  	v17 =	vadd.f32 $2.000000000e+00, v9;
	v15 =	vadd.f32 $2.857142980e-01, v15  }
0x27e: {  	s3 =	simm.s32 $0x300;
	vm0 =	vge.f32 v16, $5.000000000e-01;
	v18 =	vand.u32 $0x7FFFFFFF, v5;
	v14 =	vmul.f32 v14, v10  }
0x27f: {  	s23 =	sand.u32 $0xC00, s3;
	s5 =	simm.s32 $0x60;
	v18 =	vsub.f32 $0.0e+00, v18;
	v10 =	vpop (erf);
	(erf) = vrcp.f32 v17;
	v17 =	vmul.f32 v15, v8  }
0x280: {  	s4 =	sand.u32 $0x70, s5;
	s5 =	sor.u32 s23, s1;
	v11 =	vmax.f32 v13, $0.0e+00;
	v10 =	vmul.f32 v10, v12;
	v12 =	vadd.f32 $2.000000000e+00, v14  }
0x281: {  	s23 =	sor.u32 s4, s5;
	s4 =	simm.s32 $0x70;
	v13 =	vnsel vm0, $0x0, v13;
	v15 =	vmul.f32 $1.442695020e+00, v18;
	v14 =	vadd.f32 $4.000000060e-01, v17  }
.LBB2_23:
0x282: {  	p0 =	sne.s32 s4, $0x1F0;
	v16 =	vld [tilespmem:s23+$0x0];
	v17 =	vmul.f32 v10, v10;
	v12 =	vmul.f32 v12, v6;
	v11 =	vsub.f32 v11, v13;
	v18 =	vmovc v1  }
0x283: {  	v1 =	vmovc v2;
	v2 =	vmovc v5;
	v6 =	vmov v7;
	v7 =	vmov v10;
	v13 =	vmul.f32 v14, v8  }
0x284: {  	(erf) = vpow2.f32 v15;
	v14 =	vpop (erf);
	v20 =	vmul.f32 $2.222222240e-01, v17;
	v15 =	vld [tilespmem:s0+$0x2000];
	v10 =	vadd.f32 v12, v11;
	s0 =	smov.u32 s31;
	s31 =	smov.u32 s28;
	s28 =	smov.u32 s29  }
0x285: {  	s29 =	smov.u32 s30;
	s30 =	smov.u32 s23;
	v12 =	vadd.f32 $2.000000000e+00, v14;
	v11 =	vadd.f32 $6.666666860e-01, v13  }
.Ltmp10:
0x286: {  	v13 =	vadd.f32 $2.857142980e-01, v20;
	v0 =	vadd.f32 v10, v0;
	(pc) =	sbr.rel @p0 .LBB2_23-.Ltmp10, $4  }
0x287: {  	s3 =	sadd.s32 $0x80, s3;
	v20 =	vand.u32 $0x7FFFFFFF, v16;
	v19 =	vmul.f32 v11, v8;
	v11 =	vmax.f32 v4, $0.0e+00;
	v5 =	vmovc v16;
	v8 =	vmovc v17  }
0x288: {  	s5 =	sand.u32 $0xC00, s3;
	v16 =	vsub.f32 $0.0e+00, v20;
	(erf) = vrcp.f32 v12;
	v10 =	vpop (erf);
	v13 =	vmul.f32 v13, v8  }
0x289: {  	s23 =	sand.u32 $0x70, s4;
	s5 =	sor.u32 s5, s1;
	v10 =	vmul.f32 v10, v9;
	v12 =	vadd.f32 $2.000000000e+00, v19;
	vm0 =	vge.f32 v15, $5.000000000e-01;
	v9 =	vmovc v14  }
0x28a: {  	s4 =	sadd.s32 $0x10, s4;
	s23 =	sor.u32 s23, s5;
	v15 =	vmul.f32 $1.442695020e+00, v16;
	v14 =	vadd.f32 $4.000000060e-01, v13;
	v13 =	vnsel vm0, $0x0, v4;
	v4 =	vmovc v3;
	v3 =	vmovc v18  }
0x28b: {  	v16 =	vld [tilespmem:s23+$0x0];
	_ =	sdelay $0x4  }
0x28c: {  	v17 =	vand.u32 $0x7FFFFFFF, v16  }
0x28d: {  	v18 =	vpop (erf);
	v17 =	vsub.f32 $0.0e+00, v17  }
0x28e: {  	v59 =	vadd.f32 $2.000000000e+00, v18  }
0x28f: {  	(erf) = vpow2.f32 v15;
	v17 =	vmul.f32 $1.442695020e+00, v17  }
0x290: {  	(erf) = vrcp.f32 v59  }
0x291: {  	(erf) = vpow2.f32 v17;
	_ =	sdelay $0x5  }
0x292: {  	v61 =	vpop (erf)  }
0x293: {  	v20 =	vpop (erf)  }
0x294: {  	v60 =	vmul.f32 v10, v10;
	v63 =	vld [tilespmem:s0+$0x2000];
	v21 =	vadd.f32 $2.000000000e+00, v20;
	v22 =	vpop (erf)  }
0x295: {  	v6 =	vmul.f32 v12, v6;
	v11 =	vsub.f32 v11, v13;
	v32 =	vld [tilespmem:s31+$0x2000];
	v14 =	vmul.f32 v14, v8;
	v62 =	vpop (erf)  }
0x296: {  	v44 =	vld [tilespmem:s28+$0x2000];
	v19 =	vmul.f32 $2.222222240e-01, v60;
	(erf) = vrcp.f32 v21;
	v23 =	vadd.f32 $2.000000000e+00, v62  }
0x297: {  	v54 =	vld [tilespmem:s29+$0x2000];
	v6 =	vadd.f32 v6, v11  }
0x298: {  	v14 =	vadd.f32 $6.666666860e-01, v14;
	v19 =	vadd.f32 $2.857142980e-01, v19;
	(erf) = vrcp.f32 v23  }
0x299: {  	v30 =	vmax.f32 v4, $0.0e+00;
	v38 =	vmax.f32 v3, $0.0e+00;
	v9 =	vmul.f32 v61, v9  }
0x29a: {  	v0 =	vadd.f32 v6, v0;
	v25 =	vmul.f32 v14, v8;
	v19 =	vmul.f32 v19, v60  }
0x29b: {  	vm0 =	vge.f32 v63, $5.000000000e-01;
	v26 =	vmul.f32 v9, v9;
	v29 =	vmul.f32 v22, v18  }
0x29c: {  	vm11 =	vge.f32 v32, $5.000000000e-01;
	vm12 =	vge.f32 v44, $5.000000000e-01;
	vm13 =	vge.f32 v54, $5.000000000e-01  }
0x29d: {  	v24 =	vadd.f32 $4.000000060e-01, v19;
	v28 =	vmul.f32 $2.222222240e-01, v26;
	v34 =	vmul.f32 v29, v29  }
0x29e: {  	v59 =	vmax.f32 v2, $0.0e+00;
	v31 =	vnsel vm0, $0x0, v4;
	v8 =	vadd.f32 $2.000000000e+00, v25  }
0x29f: {  	v27 =	vmul.f32 v24, v60;
	v33 =	vadd.f32 $2.857142980e-01, v28;
	v39 =	vmul.f32 $2.222222240e-01, v34;
	v35 =	vpop (erf)  }
0x2a0: {  	v3 =	vnsel vm11, $0x0, v3;
	v7 =	vmul.f32 v8, v7;
	v37 =	vmul.f32 v35, v20  }
0x2a1: {  	v11 =	vadd.f32 $6.666666860e-01, v27;
	v36 =	vmul.f32 v33, v26;
	v42 =	vadd.f32 $2.857142980e-01, v39;
	v41 =	vpop (erf)  }
0x2a2: {  	v4 =	vsub.f32 v30, v31;
	v40 =	vmul.f32 v37, v37;
	v43 =	vmul.f32 v41, v62  }
0x2a3: {  	v11 =	vmul.f32 v11, v60;
	v6 =	vadd.f32 $4.000000060e-01, v36;
	v46 =	vmul.f32 v42, v34  }
0x2a4: {  	v3 =	vsub.f32 v38, v3;
	v45 =	vmul.f32 $2.222222240e-01, v40;
	v47 =	vmul.f32 v43, v43  }
0x2a5: {  	v4 =	vadd.f32 v7, v4;
	v11 =	vadd.f32 $2.000000000e+00, v11;
	v6 =	vmul.f32 v6, v26  }
0x2a6: {  	v50 =	vadd.f32 $4.000000060e-01, v46;
	v49 =	vadd.f32 $2.857142980e-01, v45;
	v51 =	vmul.f32 $2.222222240e-01, v47  }
0x2a7: {  	v0 =	vadd.f32 v4, v0;
	v48 =	vmul.f32 v11, v10;
	v6 =	vadd.f32 $6.666666860e-01, v6  }
0x2a8: {  	v4 =	vmul.f32 v50, v34;
	v52 =	vmul.f32 v49, v40;
	v7 =	vadd.f32 $2.857142980e-01, v51  }
0x2a9: {  	v53 =	vnsel vm12, $0x0, v1;
	v3 =	vadd.f32 v48, v3;
	v6 =	vmul.f32 v6, v26  }
0x2aa: {  	v4 =	vadd.f32 $6.666666860e-01, v4;
	v10 =	vadd.f32 $4.000000060e-01, v52;
	v7 =	vmul.f32 v7, v47  }
0x2ab: {  	v1 =	vmax.f32 v1, $0.0e+00;
	v0 =	vadd.f32 v3, v0;
	v6 =	vadd.f32 $2.000000000e+00, v6  }
0x2ac: {  	v57 =	vld [tilespmem:s30+$0x2000];
	v3 =	vmul.f32 v4, v34;
	v55 =	vmul.f32 v10, v40;
	v56 =	vadd.f32 $4.000000060e-01, v7  }
0x2ad: {  	v2 =	vnsel vm13, $0x0, v2;
	v1 =	vsub.f32 v1, v53;
	v6 =	vmul.f32 v6, v9  }
0x2ae: {  	v60 =	vld [tilespmem:s23+$0x2000];
	v3 =	vadd.f32 $2.000000000e+00, v3;
	v58 =	vadd.f32 $6.666666860e-01, v55;
	v4 =	vmul.f32 v56, v47  }
0x2af: {  	v2 =	vsub.f32 v59, v2;
	v1 =	vadd.f32 v6, v1  }
0x2b0: {  	v3 =	vmul.f32 v3, v29;
	v7 =	vmul.f32 v58, v40;
	v4 =	vadd.f32 $6.666666860e-01, v4  }
0x2b1: {  	vm14 =	vge.f32 v57, $5.000000000e-01;
	v0 =	vadd.f32 v1, v0  }
0x2b2: {  	v2 =	vadd.f32 v3, v2;
	v1 =	vadd.f32 $2.000000000e+00, v7;
	v3 =	vmul.f32 v4, v47  }
0x2b3: {  	v61 =	vmax.f32 v5, $0.0e+00;
	vm15 =	vge.f32 v60, $5.000000000e-01;
	v62 =	vnsel vm14, $0x0, v5  }
0x2b4: {  	s26 =	sadd.s32 $0x1, s26;
	v1 =	vmul.f32 v1, v37;
	v4 =	vsub.f32 v61, v62;
	v3 =	vadd.f32 $2.000000000e+00, v3  }
0x2b5: {  	p0 =	sne.s32 s26, $0x10;
	v63 =	vnsel vm15, $0x0, v16;
	v0 =	vadd.f32 v2, v0;
	v2 =	vmax.f32 v16, $0.0e+00  }
.Ltmp11:
0x2b6: {  	v2 =	vsub.f32 v2, v63;
	v1 =	vadd.f32 v1, v4;
	v3 =	vmul.f32 v3, v43;
	(pc) =	sbr.rel @p0 .LBB2_22-.Ltmp11, $3  }
0x2b7: {  	_ = 	snop  }
0x2b8: {  	v0 =	vadd.f32 v1, v0;
	v1 =	vadd.f32 v3, v2;
	_ =	sdelay $0x1  }
0x2b9: {  	v0 =	vadd.f32 v1, v0  }
0x2ba: {  	s25 =	simm.s32 $0x0  }
0x2bb: {  	[tilespmem:s25], [sflag:$0x1] =	stream.linear.gather [hbm4b:s15+s25], $0x2000, $0x38;
	[tilespmem:$0x4080] =	vst v63  }
0x2bc: {  	_ =	swait.ge [sflag:s21], $0x2000  }
0x2bd: {  	[sflag:s21] =	ssyncset.done $0x0  }
0x2be: {  	[sflag:s21] =	ssyncadd.s32 $0xFFFFE000  }
0x2bf: {  	[tilespmem:s22], [sflag:$0x1] =	stream.linear.gather [hbm4b:s16+s25], $0x2000, $0x38;
	[tilespmem:$0x4080] =	vst v63  }
0x2c0: {  	_ =	swait.ge [sflag:s21], $0x2000  }
0x2c1: {  	[sflag:s21] =	ssyncset.done $0x0  }
0x2c2: {  	s26 =	simm.s32 $0x0;
	[sflag:s21] =	ssyncadd.s32 $0xFFFFE000  }
.LBB2_26:
0x2c3: {  	s0 =	sshll.u32 s26, $0x9;
	s1 =	sshll.u32 s26, $0x7  }
0x2c4: {  	s0 =	sand.u32 $0x1000, s0;
	s1 =	sand.u32 $0x380, s1  }
0x2c5: {  	s4 =	sand.u32 $0xC00, s25;
	s1 =	sor.u32 s0, s1  }
0x2c6: {  	s3 =	sand.u32 $0x70, s25;
	s0 =	sor.u32 s4, s1  }
0x2c7: {  	s3 =	sor.u32 s3, s0  }
0x2c8: {  	v13 =	vld [tilespmem:s3+$0x0];
	_ =	sdelay $0x4  }
0x2c9: {  	v1 =	vand.u32 $0x7FFFFFFF, v13  }
0x2ca: {  	s5 =	simm.s32 $0x80;
	v1 =	vsub.f32 $0.0e+00, v1  }
0x2cb: {  	s4 =	simm.s32 $0x10;
	s0 =	sand.u32 $0xC00, s5  }
0x2cc: {  	s4 =	sand.u32 $0x70, s4;
	s0 =	sor.u32 s0, s1;
	v1 =	vmul.f32 $1.442695020e+00, v1  }
0x2cd: {  	s0 =	sor.u32 s4, s0  }
0x2ce: {  	v4 =	vld [tilespmem:s0+$0x0];
	(erf) = vpow2.f32 v1;
	_ =	sdelay $0x2  }
0x2cf: {  	s23 =	simm.s32 $0x100  }
0x2d0: {  	s5 =	simm.s32 $0x20;
	s4 =	sand.u32 $0xC00, s23  }
0x2d1: {  	s5 =	sand.u32 $0x70, s5;
	s4 =	sor.u32 s4, s1;
	v1 =	vand.u32 $0x7FFFFFFF, v4  }
0x2d2: {  	s31 =	sor.u32 s5, s4;
	v1 =	vsub.f32 $0.0e+00, v1  }
0x2d3: {  	v3 =	vld [tilespmem:s31+$0x0]  }
0x2d4: {  	v1 =	vmul.f32 $1.442695020e+00, v1  }
0x2d5: {  	v2 =	vpop (erf)  }
0x2d6: {  	(erf) = vpow2.f32 v1;
	v1 =	vadd.f32 $2.000000000e+00, v2;
	_ =	sdelay $0x1  }
0x2d7: {  	(erf) = vrcp.f32 v1;
	v1 =	vand.u32 $0x7FFFFFFF, v3  }
0x2d8: {  	v1 =	vsub.f32 $0.0e+00, v1;
	_ =	sdelay $0x1  }
0x2d9: {  	s5 =	simm.s32 $0x180;
	v5 =	vmul.f32 $1.442695020e+00, v1  }
0x2da: {  	s23 =	simm.s32 $0x30;
	s4 =	sand.u32 $0xC00, s5  }
0x2db: {  	s5 =	sand.u32 $0x70, s23;
	s4 =	sor.u32 s4, s1  }
0x2dc: {  	s28 =	sor.u32 s5, s4  }
0x2dd: {  	v1 =	vld [tilespmem:s28+$0x0];
	(erf) = vpow2.f32 v5;
	v5 =	vpop (erf)  }
0x2de: {  	v6 =	vadd.f32 $2.000000000e+00, v5;
	_ =	sdelay $0x3  }
0x2df: {  	v7 =	vand.u32 $0x7FFFFFFF, v1;
	(erf) = vrcp.f32 v6;
	v6 =	vpop (erf)  }
0x2e0: {  	s5 =	simm.s32 $0x200;
	v6 =	vmul.f32 v6, v2;
	v2 =	vsub.f32 $0.0e+00, v7  }
0x2e1: {  	s23 =	simm.s32 $0x40;
	s4 =	sand.u32 $0xC00, s5  }
0x2e2: {  	s5 =	sand.u32 $0x70, s23;
	s4 =	sor.u32 s4, s1;
	v10 =	vmul.f32 v6, v6;
	v7 =	vmul.f32 $1.442695020e+00, v2  }
0x2e3: {  	s29 =	sor.u32 s5, s4;
	v12 =	vpop (erf)  }
0x2e4: {  	v2 =	vld [tilespmem:s29+$0x0];
	v8 =	vmul.f32 $2.222222240e-01, v10;
	(erf) = vpow2.f32 v7;
	v7 =	vadd.f32 $2.000000000e+00, v12;
	_ =	sdelay $0x1  }
0x2e5: {  	v8 =	vadd.f32 $2.857142980e-01, v8;
	_ =	sdelay $0x1  }
0x2e6: {  	s5 =	simm.s32 $0x280;
	(erf) = vrcp.f32 v7;
	v7 =	vpop (erf);
	v8 =	vmul.f32 v8, v10  }
0x2e7: {  	s23 =	simm.s32 $0x50;
	s4 =	sand.u32 $0xC00, s5;
	v7 =	vmul.f32 v7, v5;
	v5 =	vand.u32 $0x7FFFFFFF, v2  }
0x2e8: {  	s5 =	sand.u32 $0x70, s23;
	s4 =	sor.u32 s4, s1;
	v9 =	vadd.f32 $4.000000060e-01, v8;
	v11 =	vsub.f32 $0.0e+00, v5  }
0x2e9: {  	v16 =	vld [tilespmem:s3+$0x2000];
	s30 =	sor.u32 s5, s4  }
0x2ea: {  	v5 =	vld [tilespmem:s30+$0x0];
	v8 =	vmul.f32 v7, v7;
	v11 =	vmul.f32 $1.442695020e+00, v11  }
0x2eb: {  	v14 =	vmul.f32 v9, v10  }
0x2ec: {  	v15 =	vmul.f32 $2.222222240e-01, v8;
	v9 =	vpop (erf);
	(erf) = vpow2.f32 v11  }
0x2ed: {  	v14 =	vadd.f32 $6.666666860e-01, v14  }
0x2ee: {  	v17 =	vadd.f32 $2.000000000e+00, v9;
	v15 =	vadd.f32 $2.857142980e-01, v15  }
0x2ef: {  	s3 =	simm.s32 $0x300;
	vm0 =	vge.f32 v16, $5.000000000e-01;
	v18 =	vand.u32 $0x7FFFFFFF, v5;
	v14 =	vmul.f32 v14, v10  }
0x2f0: {  	s23 =	sand.u32 $0xC00, s3;
	s5 =	simm.s32 $0x60;
	v18 =	vsub.f32 $0.0e+00, v18;
	v10 =	vpop (erf);
	(erf) = vrcp.f32 v17;
	v17 =	vmul.f32 v15, v8  }
0x2f1: {  	s4 =	sand.u32 $0x70, s5;
	s5 =	sor.u32 s23, s1;
	v11 =	vmax.f32 v13, $0.0e+00;
	v10 =	vmul.f32 v10, v12;
	v12 =	vadd.f32 $2.000000000e+00, v14  }
0x2f2: {  	s23 =	sor.u32 s4, s5;
	s4 =	simm.s32 $0x70;
	v13 =	vnsel vm0, $0x0, v13;
	v15 =	vmul.f32 $1.442695020e+00, v18;
	v14 =	vadd.f32 $4.000000060e-01, v17  }
.LBB2_27:
0x2f3: {  	p0 =	sne.s32 s4, $0x1F0;
	v16 =	vld [tilespmem:s23+$0x0];
	v17 =	vmul.f32 v10, v10;
	v12 =	vmul.f32 v12, v6;
	v11 =	vsub.f32 v11, v13;
	v18 =	vmovc v1  }
0x2f4: {  	v1 =	vmovc v2;
	v2 =	vmovc v5;
	v6 =	vmov v7;
	v7 =	vmov v10;
	v13 =	vmul.f32 v14, v8  }
0x2f5: {  	(erf) = vpow2.f32 v15;
	v14 =	vpop (erf);
	v20 =	vmul.f32 $2.222222240e-01, v17;
	v15 =	vld [tilespmem:s0+$0x2000];
	v10 =	vadd.f32 v12, v11;
	s0 =	smov.u32 s31;
	s31 =	smov.u32 s28;
	s28 =	smov.u32 s29  }
0x2f6: {  	s29 =	smov.u32 s30;
	s30 =	smov.u32 s23;
	v12 =	vadd.f32 $2.000000000e+00, v14;
	v11 =	vadd.f32 $6.666666860e-01, v13  }
.Ltmp12:
0x2f7: {  	v13 =	vadd.f32 $2.857142980e-01, v20;
	v0 =	vadd.f32 v10, v0;
	(pc) =	sbr.rel @p0 .LBB2_27-.Ltmp12, $4  }
0x2f8: {  	s3 =	sadd.s32 $0x80, s3;
	v20 =	vand.u32 $0x7FFFFFFF, v16;
	v19 =	vmul.f32 v11, v8;
	v11 =	vmax.f32 v4, $0.0e+00;
	v5 =	vmovc v16;
	v8 =	vmovc v17  }
0x2f9: {  	s5 =	sand.u32 $0xC00, s3;
	v16 =	vsub.f32 $0.0e+00, v20;
	(erf) = vrcp.f32 v12;
	v10 =	vpop (erf);
	v13 =	vmul.f32 v13, v8  }
0x2fa: {  	s23 =	sand.u32 $0x70, s4;
	s5 =	sor.u32 s5, s1;
	v10 =	vmul.f32 v10, v9;
	v12 =	vadd.f32 $2.000000000e+00, v19;
	vm0 =	vge.f32 v15, $5.000000000e-01;
	v9 =	vmovc v14  }
0x2fb: {  	s4 =	sadd.s32 $0x10, s4;
	s23 =	sor.u32 s23, s5;
	v15 =	vmul.f32 $1.442695020e+00, v16;
	v14 =	vadd.f32 $4.000000060e-01, v13;
	v13 =	vnsel vm0, $0x0, v4;
	v4 =	vmovc v3;
	v3 =	vmovc v18  }
0x2fc: {  	v16 =	vld [tilespmem:s23+$0x0];
	_ =	sdelay $0x4  }
0x2fd: {  	v17 =	vand.u32 $0x7FFFFFFF, v16  }
0x2fe: {  	v18 =	vpop (erf);
	v17 =	vsub.f32 $0.0e+00, v17  }
0x2ff: {  	v59 =	vadd.f32 $2.000000000e+00, v18  }
0x300: {  	(erf) = vpow2.f32 v15;
	v17 =	vmul.f32 $1.442695020e+00, v17  }
0x301: {  	(erf) = vrcp.f32 v59  }
0x302: {  	(erf) = vpow2.f32 v17;
	_ =	sdelay $0x5  }
0x303: {  	v61 =	vpop (erf)  }
0x304: {  	v20 =	vpop (erf)  }
0x305: {  	v60 =	vmul.f32 v10, v10;
	v63 =	vld [tilespmem:s0+$0x2000];
	v21 =	vadd.f32 $2.000000000e+00, v20;
	v22 =	vpop (erf)  }
0x306: {  	v6 =	vmul.f32 v12, v6;
	v11 =	vsub.f32 v11, v13;
	v32 =	vld [tilespmem:s31+$0x2000];
	v14 =	vmul.f32 v14, v8;
	v62 =	vpop (erf)  }
0x307: {  	v44 =	vld [tilespmem:s28+$0x2000];
	v19 =	vmul.f32 $2.222222240e-01, v60;
	(erf) = vrcp.f32 v21;
	v23 =	vadd.f32 $2.000000000e+00, v62  }
0x308: {  	v54 =	vld [tilespmem:s29+$0x2000];
	v6 =	vadd.f32 v6, v11  }
0x309: {  	v14 =	vadd.f32 $6.666666860e-01, v14;
	v19 =	vadd.f32 $2.857142980e-01, v19;
	(erf) = vrcp.f32 v23  }
0x30a: {  	v30 =	vmax.f32 v4, $0.0e+00;
	v38 =	vmax.f32 v3, $0.0e+00;
	v9 =	vmul.f32 v61, v9  }
0x30b: {  	v0 =	vadd.f32 v6, v0;
	v25 =	vmul.f32 v14, v8;
	v19 =	vmul.f32 v19, v60  }
0x30c: {  	vm0 =	vge.f32 v63, $5.000000000e-01;
	v26 =	vmul.f32 v9, v9;
	v29 =	vmul.f32 v22, v18  }
0x30d: {  	vm11 =	vge.f32 v32, $5.000000000e-01;
	vm12 =	vge.f32 v44, $5.000000000e-01;
	vm13 =	vge.f32 v54, $5.000000000e-01  }
0x30e: {  	v24 =	vadd.f32 $4.000000060e-01, v19;
	v28 =	vmul.f32 $2.222222240e-01, v26;
	v34 =	vmul.f32 v29, v29  }
0x30f: {  	v59 =	vmax.f32 v2, $0.0e+00;
	v31 =	vnsel vm0, $0x0, v4;
	v8 =	vadd.f32 $2.000000000e+00, v25  }
0x310: {  	v27 =	vmul.f32 v24, v60;
	v33 =	vadd.f32 $2.857142980e-01, v28;
	v39 =	vmul.f32 $2.222222240e-01, v34;
	v35 =	vpop (erf)  }
0x311: {  	v3 =	vnsel vm11, $0x0, v3;
	v7 =	vmul.f32 v8, v7;
	v37 =	vmul.f32 v35, v20  }
0x312: {  	v11 =	vadd.f32 $6.666666860e-01, v27;
	v36 =	vmul.f32 v33, v26;
	v42 =	vadd.f32 $2.857142980e-01, v39;
	v41 =	vpop (erf)  }
0x313: {  	v4 =	vsub.f32 v30, v31;
	v40 =	vmul.f32 v37, v37;
	v43 =	vmul.f32 v41, v62  }
0x314: {  	v11 =	vmul.f32 v11, v60;
	v6 =	vadd.f32 $4.000000060e-01, v36;
	v46 =	vmul.f32 v42, v34  }
0x315: {  	v3 =	vsub.f32 v38, v3;
	v45 =	vmul.f32 $2.222222240e-01, v40;
	v47 =	vmul.f32 v43, v43  }
0x316: {  	v4 =	vadd.f32 v7, v4;
	v11 =	vadd.f32 $2.000000000e+00, v11;
	v6 =	vmul.f32 v6, v26  }
0x317: {  	v50 =	vadd.f32 $4.000000060e-01, v46;
	v49 =	vadd.f32 $2.857142980e-01, v45;
	v51 =	vmul.f32 $2.222222240e-01, v47  }
0x318: {  	v0 =	vadd.f32 v4, v0;
	v48 =	vmul.f32 v11, v10;
	v6 =	vadd.f32 $6.666666860e-01, v6  }
0x319: {  	v4 =	vmul.f32 v50, v34;
	v52 =	vmul.f32 v49, v40;
	v7 =	vadd.f32 $2.857142980e-01, v51  }
0x31a: {  	v53 =	vnsel vm12, $0x0, v1;
	v3 =	vadd.f32 v48, v3;
	v6 =	vmul.f32 v6, v26  }
0x31b: {  	v4 =	vadd.f32 $6.666666860e-01, v4;
	v10 =	vadd.f32 $4.000000060e-01, v52;
	v7 =	vmul.f32 v7, v47  }
0x31c: {  	v1 =	vmax.f32 v1, $0.0e+00;
	v0 =	vadd.f32 v3, v0;
	v6 =	vadd.f32 $2.000000000e+00, v6  }
0x31d: {  	v57 =	vld [tilespmem:s30+$0x2000];
	v3 =	vmul.f32 v4, v34;
	v55 =	vmul.f32 v10, v40;
	v56 =	vadd.f32 $4.000000060e-01, v7  }
0x31e: {  	v2 =	vnsel vm13, $0x0, v2;
	v1 =	vsub.f32 v1, v53;
	v6 =	vmul.f32 v6, v9  }
0x31f: {  	v60 =	vld [tilespmem:s23+$0x2000];
	v3 =	vadd.f32 $2.000000000e+00, v3;
	v58 =	vadd.f32 $6.666666860e-01, v55;
	v4 =	vmul.f32 v56, v47  }
0x320: {  	v2 =	vsub.f32 v59, v2;
	v1 =	vadd.f32 v6, v1  }
0x321: {  	v3 =	vmul.f32 v3, v29;
	v7 =	vmul.f32 v58, v40;
	v4 =	vadd.f32 $6.666666860e-01, v4  }
0x322: {  	vm14 =	vge.f32 v57, $5.000000000e-01;
	v0 =	vadd.f32 v1, v0  }
0x323: {  	v2 =	vadd.f32 v3, v2;
	v1 =	vadd.f32 $2.000000000e+00, v7;
	v3 =	vmul.f32 v4, v47  }
0x324: {  	v61 =	vmax.f32 v5, $0.0e+00;
	vm15 =	vge.f32 v60, $5.000000000e-01;
	v62 =	vnsel vm14, $0x0, v5  }
0x325: {  	s26 =	sadd.s32 $0x1, s26;
	v1 =	vmul.f32 v1, v37;
	v4 =	vsub.f32 v61, v62;
	v3 =	vadd.f32 $2.000000000e+00, v3  }
0x326: {  	p0 =	sne.s32 s26, $0x10;
	v63 =	vnsel vm15, $0x0, v16;
	v0 =	vadd.f32 v2, v0;
	v2 =	vmax.f32 v16, $0.0e+00  }
.Ltmp13:
0x327: {  	v2 =	vsub.f32 v2, v63;
	v1 =	vadd.f32 v1, v4;
	v3 =	vmul.f32 v3, v43;
	(pc) =	sbr.rel @p0 .LBB2_26-.Ltmp13, $3  }
0x328: {  	_ = 	snop  }
0x329: {  	v0 =	vadd.f32 v1, v0;
	v1 =	vadd.f32 v3, v2;
	_ =	sdelay $0x1  }
0x32a: {  	v0 =	vadd.f32 v1, v0  }
0x32b: {  	s25 =	simm.s32 $0x0  }
0x32c: {  	[tilespmem:s25], [sflag:$0x1] =	stream.linear.gather [hbm4b:s17+s25], $0x2000, $0x38;
	[tilespmem:$0x4080] =	vst v63  }
0x32d: {  	_ =	swait.ge [sflag:s21], $0x2000  }
0x32e: {  	[sflag:s21] =	ssyncset.done $0x0  }
0x32f: {  	[sflag:s21] =	ssyncadd.s32 $0xFFFFE000  }
0x330: {  	[tilespmem:s22], [sflag:$0x1] =	stream.linear.gather [hbm4b:s18+s25], $0x2000, $0x38;
	[tilespmem:$0x4080] =	vst v63  }
0x331: {  	_ =	swait.ge [sflag:s21], $0x2000  }
0x332: {  	[sflag:s21] =	ssyncset.done $0x0  }
0x333: {  	s26 =	simm.s32 $0x0;
	[sflag:s21] =	ssyncadd.s32 $0xFFFFE000  }
.LBB2_30:
0x334: {  	s0 =	sshll.u32 s26, $0x9;
	s1 =	sshll.u32 s26, $0x7  }
0x335: {  	s0 =	sand.u32 $0x1000, s0;
	s1 =	sand.u32 $0x380, s1  }
0x336: {  	s4 =	sand.u32 $0xC00, s25;
	s1 =	sor.u32 s0, s1  }
0x337: {  	s3 =	sand.u32 $0x70, s25;
	s0 =	sor.u32 s4, s1  }
0x338: {  	s3 =	sor.u32 s3, s0  }
0x339: {  	v13 =	vld [tilespmem:s3+$0x0];
	_ =	sdelay $0x4  }
0x33a: {  	v1 =	vand.u32 $0x7FFFFFFF, v13  }
0x33b: {  	s5 =	simm.s32 $0x80;
	v1 =	vsub.f32 $0.0e+00, v1  }
0x33c: {  	s4 =	simm.s32 $0x10;
	s0 =	sand.u32 $0xC00, s5  }
0x33d: {  	s4 =	sand.u32 $0x70, s4;
	s0 =	sor.u32 s0, s1;
	v1 =	vmul.f32 $1.442695020e+00, v1  }
0x33e: {  	s0 =	sor.u32 s4, s0  }
0x33f: {  	v4 =	vld [tilespmem:s0+$0x0];
	(erf) = vpow2.f32 v1;
	_ =	sdelay $0x2  }
0x340: {  	s23 =	simm.s32 $0x100  }
0x341: {  	s5 =	simm.s32 $0x20;
	s4 =	sand.u32 $0xC00, s23  }
0x342: {  	s5 =	sand.u32 $0x70, s5;
	s4 =	sor.u32 s4, s1;
	v1 =	vand.u32 $0x7FFFFFFF, v4  }
0x343: {  	s31 =	sor.u32 s5, s4;
	v1 =	vsub.f32 $0.0e+00, v1  }
0x344: {  	v3 =	vld [tilespmem:s31+$0x0]  }
0x345: {  	v1 =	vmul.f32 $1.442695020e+00, v1  }
0x346: {  	v2 =	vpop (erf)  }
0x347: {  	(erf) = vpow2.f32 v1;
	v1 =	vadd.f32 $2.000000000e+00, v2;
	_ =	sdelay $0x1  }
0x348: {  	(erf) = vrcp.f32 v1;
	v1 =	vand.u32 $0x7FFFFFFF, v3  }
0x349: {  	v1 =	vsub.f32 $0.0e+00, v1;
	_ =	sdelay $0x1  }
0x34a: {  	s5 =	simm.s32 $0x180;
	v5 =	vmul.f32 $1.442695020e+00, v1  }
0x34b: {  	s23 =	simm.s32 $0x30;
	s4 =	sand.u32 $0xC00, s5  }
0x34c: {  	s5 =	sand.u32 $0x70, s23;
	s4 =	sor.u32 s4, s1  }
0x34d: {  	s28 =	sor.u32 s5, s4  }
0x34e: {  	v1 =	vld [tilespmem:s28+$0x0];
	(erf) = vpow2.f32 v5;
	v5 =	vpop (erf)  }
0x34f: {  	v6 =	vadd.f32 $2.000000000e+00, v5;
	_ =	sdelay $0x3  }
0x350: {  	v7 =	vand.u32 $0x7FFFFFFF, v1;
	(erf) = vrcp.f32 v6;
	v6 =	vpop (erf)  }
0x351: {  	s5 =	simm.s32 $0x200;
	v6 =	vmul.f32 v6, v2;
	v2 =	vsub.f32 $0.0e+00, v7  }
0x352: {  	s23 =	simm.s32 $0x40;
	s4 =	sand.u32 $0xC00, s5  }
0x353: {  	s5 =	sand.u32 $0x70, s23;
	s4 =	sor.u32 s4, s1;
	v10 =	vmul.f32 v6, v6;
	v7 =	vmul.f32 $1.442695020e+00, v2  }
0x354: {  	s29 =	sor.u32 s5, s4;
	v12 =	vpop (erf)  }
0x355: {  	v2 =	vld [tilespmem:s29+$0x0];
	v8 =	vmul.f32 $2.222222240e-01, v10;
	(erf) = vpow2.f32 v7;
	v7 =	vadd.f32 $2.000000000e+00, v12;
	_ =	sdelay $0x1  }
0x356: {  	v8 =	vadd.f32 $2.857142980e-01, v8;
	_ =	sdelay $0x1  }
0x357: {  	s5 =	simm.s32 $0x280;
	(erf) = vrcp.f32 v7;
	v7 =	vpop (erf);
	v8 =	vmul.f32 v8, v10  }
0x358: {  	s23 =	simm.s32 $0x50;
	s4 =	sand.u32 $0xC00, s5;
	v7 =	vmul.f32 v7, v5;
	v5 =	vand.u32 $0x7FFFFFFF, v2  }
0x359: {  	s5 =	sand.u32 $0x70, s23;
	s4 =	sor.u32 s4, s1;
	v9 =	vadd.f32 $4.000000060e-01, v8;
	v11 =	vsub.f32 $0.0e+00, v5  }
0x35a: {  	v16 =	vld [tilespmem:s3+$0x2000];
	s30 =	sor.u32 s5, s4  }
0x35b: {  	v5 =	vld [tilespmem:s30+$0x0];
	v8 =	vmul.f32 v7, v7;
	v11 =	vmul.f32 $1.442695020e+00, v11  }
0x35c: {  	v14 =	vmul.f32 v9, v10  }
0x35d: {  	v15 =	vmul.f32 $2.222222240e-01, v8;
	v9 =	vpop (erf);
	(erf) = vpow2.f32 v11  }
0x35e: {  	v14 =	vadd.f32 $6.666666860e-01, v14  }
0x35f: {  	v17 =	vadd.f32 $2.000000000e+00, v9;
	v15 =	vadd.f32 $2.857142980e-01, v15  }
0x360: {  	s3 =	simm.s32 $0x300;
	vm0 =	vge.f32 v16, $5.000000000e-01;
	v18 =	vand.u32 $0x7FFFFFFF, v5;
	v14 =	vmul.f32 v14, v10  }
0x361: {  	s23 =	sand.u32 $0xC00, s3;
	s5 =	simm.s32 $0x60;
	v18 =	vsub.f32 $0.0e+00, v18;
	v10 =	vpop (erf);
	(erf) = vrcp.f32 v17;
	v17 =	vmul.f32 v15, v8  }
0x362: {  	s4 =	sand.u32 $0x70, s5;
	s5 =	sor.u32 s23, s1;
	v11 =	vmax.f32 v13, $0.0e+00;
	v10 =	vmul.f32 v10, v12;
	v12 =	vadd.f32 $2.000000000e+00, v14  }
0x363: {  	s23 =	sor.u32 s4, s5;
	s4 =	simm.s32 $0x70;
	v13 =	vnsel vm0, $0x0, v13;
	v15 =	vmul.f32 $1.442695020e+00, v18;
	v14 =	vadd.f32 $4.000000060e-01, v17  }
.LBB2_31:
0x364: {  	p0 =	sne.s32 s4, $0x1F0;
	v16 =	vld [tilespmem:s23+$0x0];
	v17 =	vmul.f32 v10, v10;
	v12 =	vmul.f32 v12, v6;
	v11 =	vsub.f32 v11, v13;
	v18 =	vmovc v1  }
0x365: {  	v1 =	vmovc v2;
	v2 =	vmovc v5;
	v6 =	vmov v7;
	v7 =	vmov v10;
	v13 =	vmul.f32 v14, v8  }
0x366: {  	(erf) = vpow2.f32 v15;
	v14 =	vpop (erf);
	v20 =	vmul.f32 $2.222222240e-01, v17;
	v15 =	vld [tilespmem:s0+$0x2000];
	v10 =	vadd.f32 v12, v11;
	s0 =	smov.u32 s31;
	s31 =	smov.u32 s28;
	s28 =	smov.u32 s29  }
0x367: {  	s29 =	smov.u32 s30;
	s30 =	smov.u32 s23;
	v12 =	vadd.f32 $2.000000000e+00, v14;
	v11 =	vadd.f32 $6.666666860e-01, v13  }
.Ltmp14:
0x368: {  	v13 =	vadd.f32 $2.857142980e-01, v20;
	v0 =	vadd.f32 v10, v0;
	(pc) =	sbr.rel @p0 .LBB2_31-.Ltmp14, $4  }
0x369: {  	s3 =	sadd.s32 $0x80, s3;
	v20 =	vand.u32 $0x7FFFFFFF, v16;
	v19 =	vmul.f32 v11, v8;
	v11 =	vmax.f32 v4, $0.0e+00;
	v5 =	vmovc v16;
	v8 =	vmovc v17  }
0x36a: {  	s5 =	sand.u32 $0xC00, s3;
	v16 =	vsub.f32 $0.0e+00, v20;
	(erf) = vrcp.f32 v12;
	v10 =	vpop (erf);
	v13 =	vmul.f32 v13, v8  }
0x36b: {  	s23 =	sand.u32 $0x70, s4;
	s5 =	sor.u32 s5, s1;
	v10 =	vmul.f32 v10, v9;
	v12 =	vadd.f32 $2.000000000e+00, v19;
	vm0 =	vge.f32 v15, $5.000000000e-01;
	v9 =	vmovc v14  }
0x36c: {  	s4 =	sadd.s32 $0x10, s4;
	s23 =	sor.u32 s23, s5;
	v15 =	vmul.f32 $1.442695020e+00, v16;
	v14 =	vadd.f32 $4.000000060e-01, v13;
	v13 =	vnsel vm0, $0x0, v4;
	v4 =	vmovc v3;
	v3 =	vmovc v18  }
0x36d: {  	v16 =	vld [tilespmem:s23+$0x0];
	_ =	sdelay $0x4  }
0x36e: {  	v17 =	vand.u32 $0x7FFFFFFF, v16  }
0x36f: {  	v18 =	vpop (erf);
	v17 =	vsub.f32 $0.0e+00, v17  }
0x370: {  	v59 =	vadd.f32 $2.000000000e+00, v18  }
0x371: {  	(erf) = vpow2.f32 v15;
	v17 =	vmul.f32 $1.442695020e+00, v17  }
0x372: {  	(erf) = vrcp.f32 v59  }
0x373: {  	(erf) = vpow2.f32 v17;
	_ =	sdelay $0x5  }
0x374: {  	v61 =	vpop (erf)  }
0x375: {  	v20 =	vpop (erf)  }
0x376: {  	v60 =	vmul.f32 v10, v10;
	v63 =	vld [tilespmem:s0+$0x2000];
	v21 =	vadd.f32 $2.000000000e+00, v20;
	v22 =	vpop (erf)  }
0x377: {  	v6 =	vmul.f32 v12, v6;
	v11 =	vsub.f32 v11, v13;
	v32 =	vld [tilespmem:s31+$0x2000];
	v14 =	vmul.f32 v14, v8;
	v62 =	vpop (erf)  }
0x378: {  	v44 =	vld [tilespmem:s28+$0x2000];
	v19 =	vmul.f32 $2.222222240e-01, v60;
	(erf) = vrcp.f32 v21;
	v23 =	vadd.f32 $2.000000000e+00, v62  }
0x379: {  	v54 =	vld [tilespmem:s29+$0x2000];
	v6 =	vadd.f32 v6, v11  }
0x37a: {  	v14 =	vadd.f32 $6.666666860e-01, v14;
	v19 =	vadd.f32 $2.857142980e-01, v19;
	(erf) = vrcp.f32 v23  }
0x37b: {  	v30 =	vmax.f32 v4, $0.0e+00;
	v38 =	vmax.f32 v3, $0.0e+00;
	v9 =	vmul.f32 v61, v9  }
0x37c: {  	v0 =	vadd.f32 v6, v0;
	v25 =	vmul.f32 v14, v8;
	v19 =	vmul.f32 v19, v60  }
0x37d: {  	vm0 =	vge.f32 v63, $5.000000000e-01;
	v26 =	vmul.f32 v9, v9;
	v29 =	vmul.f32 v22, v18  }
0x37e: {  	vm11 =	vge.f32 v32, $5.000000000e-01;
	vm12 =	vge.f32 v44, $5.000000000e-01;
	vm13 =	vge.f32 v54, $5.000000000e-01  }
0x37f: {  	v24 =	vadd.f32 $4.000000060e-01, v19;
	v28 =	vmul.f32 $2.222222240e-01, v26;
	v34 =	vmul.f32 v29, v29  }
0x380: {  	v59 =	vmax.f32 v2, $0.0e+00;
	v31 =	vnsel vm0, $0x0, v4;
	v8 =	vadd.f32 $2.000000000e+00, v25  }
0x381: {  	v27 =	vmul.f32 v24, v60;
	v33 =	vadd.f32 $2.857142980e-01, v28;
	v39 =	vmul.f32 $2.222222240e-01, v34;
	v35 =	vpop (erf)  }
0x382: {  	v3 =	vnsel vm11, $0x0, v3;
	v7 =	vmul.f32 v8, v7;
	v37 =	vmul.f32 v35, v20  }
0x383: {  	v11 =	vadd.f32 $6.666666860e-01, v27;
	v36 =	vmul.f32 v33, v26;
	v42 =	vadd.f32 $2.857142980e-01, v39;
	v41 =	vpop (erf)  }
0x384: {  	v4 =	vsub.f32 v30, v31;
	v40 =	vmul.f32 v37, v37;
	v43 =	vmul.f32 v41, v62  }
0x385: {  	v11 =	vmul.f32 v11, v60;
	v6 =	vadd.f32 $4.000000060e-01, v36;
	v46 =	vmul.f32 v42, v34  }
0x386: {  	v3 =	vsub.f32 v38, v3;
	v45 =	vmul.f32 $2.222222240e-01, v40;
	v47 =	vmul.f32 v43, v43  }
0x387: {  	v4 =	vadd.f32 v7, v4;
	v11 =	vadd.f32 $2.000000000e+00, v11;
	v6 =	vmul.f32 v6, v26  }
0x388: {  	v50 =	vadd.f32 $4.000000060e-01, v46;
	v49 =	vadd.f32 $2.857142980e-01, v45;
	v51 =	vmul.f32 $2.222222240e-01, v47  }
0x389: {  	v0 =	vadd.f32 v4, v0;
	v48 =	vmul.f32 v11, v10;
	v6 =	vadd.f32 $6.666666860e-01, v6  }
0x38a: {  	v4 =	vmul.f32 v50, v34;
	v52 =	vmul.f32 v49, v40;
	v7 =	vadd.f32 $2.857142980e-01, v51  }
0x38b: {  	v53 =	vnsel vm12, $0x0, v1;
	v3 =	vadd.f32 v48, v3;
	v6 =	vmul.f32 v6, v26  }
0x38c: {  	v4 =	vadd.f32 $6.666666860e-01, v4;
	v10 =	vadd.f32 $4.000000060e-01, v52;
	v7 =	vmul.f32 v7, v47  }
0x38d: {  	v1 =	vmax.f32 v1, $0.0e+00;
	v0 =	vadd.f32 v3, v0;
	v6 =	vadd.f32 $2.000000000e+00, v6  }
0x38e: {  	v57 =	vld [tilespmem:s30+$0x2000];
	v3 =	vmul.f32 v4, v34;
	v55 =	vmul.f32 v10, v40;
	v56 =	vadd.f32 $4.000000060e-01, v7  }
0x38f: {  	v2 =	vnsel vm13, $0x0, v2;
	v1 =	vsub.f32 v1, v53;
	v6 =	vmul.f32 v6, v9  }
0x390: {  	v60 =	vld [tilespmem:s23+$0x2000];
	v3 =	vadd.f32 $2.000000000e+00, v3;
	v58 =	vadd.f32 $6.666666860e-01, v55;
	v4 =	vmul.f32 v56, v47  }
0x391: {  	v2 =	vsub.f32 v59, v2;
	v1 =	vadd.f32 v6, v1  }
0x392: {  	v3 =	vmul.f32 v3, v29;
	v7 =	vmul.f32 v58, v40;
	v4 =	vadd.f32 $6.666666860e-01, v4  }
0x393: {  	vm14 =	vge.f32 v57, $5.000000000e-01;
	v0 =	vadd.f32 v1, v0  }
0x394: {  	v2 =	vadd.f32 v3, v2;
	v1 =	vadd.f32 $2.000000000e+00, v7;
	v3 =	vmul.f32 v4, v47  }
0x395: {  	v61 =	vmax.f32 v5, $0.0e+00;
	vm15 =	vge.f32 v60, $5.000000000e-01;
	v62 =	vnsel vm14, $0x0, v5  }
0x396: {  	s26 =	sadd.s32 $0x1, s26;
	v1 =	vmul.f32 v1, v37;
	v4 =	vsub.f32 v61, v62;
	v3 =	vadd.f32 $2.000000000e+00, v3  }
0x397: {  	p0 =	sne.s32 s26, $0x10;
	v63 =	vnsel vm15, $0x0, v16;
	v0 =	vadd.f32 v2, v0;
	v2 =	vmax.f32 v16, $0.0e+00  }
.Ltmp15:
0x398: {  	v2 =	vsub.f32 v2, v63;
	v1 =	vadd.f32 v1, v4;
	v3 =	vmul.f32 v3, v43;
	(pc) =	sbr.rel @p0 .LBB2_30-.Ltmp15, $3  }
0x399: {  	_ = 	snop  }
0x39a: {  	v0 =	vadd.f32 v1, v0;
	v1 =	vadd.f32 v3, v2;
	_ =	sdelay $0x1  }
0x39b: {  	v0 =	vadd.f32 v1, v0  }
0x39c: {  	s24 =	sadd.s32 $0x1, s24  }
0x39d: {  	p0 =	sne.s32 s24, s20  }
.Ltmp16:
0x39e: {  	s0 =	simm.s32 $0x4000;
	[tilespmem:$0x4000] =	vst v0;
	(pc) =	sbr.rel @p0 .LBB2_1-.Ltmp16, $4  }
0x39f: {  	[hbm4b:s19+s2] =	stream.linear.scatter [tilespmem:s0], [sflag:$0x1], $0x80, $0x38;
	[tilespmem:$0x4080] =	vst v63  }
0x3a0: {  	_ =	swait.ge [sflag:s21], $0x80  }
0x3a1: {  	[sflag:s21] =	ssyncset.done $0x0  }
0x3a2: {  	[sflag:s21] =	ssyncadd.s32 $0xFFFFFF80  }
0x3a3: {  	_ =	sfence.sel $0x180000  }
0x3a4: {  	[bflag:$0x0] =	sbarrier.arrive $0xFFFF  }
0x3a5: {  	_ =	strace $0x90000047  }
0x3a6: {  	s0 =	stileid.u32;
	[bflag:$0x2] =	sbarrier.arrive $0xFFFF  }
0x3a7: {  	p0 =	sne.s32 s0, $0x0;
	s0 =	rddreg [dreg:$0x3]  }
0x3a8: {  	s0 =	sadd.s32 @!p0 $0x100000, s0  }
0x3a9: {  	[sflag:s0] =	ssyncadd.tile.s32 @!p0 $0x1;
	_ =	shalt  }
.Lfunc_end2:
_tile_overlayer_lowered:
.L_overlay_start_2:
0x3aa: {  	(tag) =	ssettag $0x2  }
0x3ab: {  	s0 =	rddreg [dreg:$0x0];
	s2 =	stileid.u32  }
0x3ac: {  	s1 =	rddreg [dreg:$0x1];
	p0 =	sne.s32 s2, $0x0  }
0x3ad: {  	s3 =	rddreg [dreg:$0x2];
	[bflag:$0x3] =	sbarrier.arrive $0xFFFF;
	s2 =	simm.s32 @!p0 $0x1C01  }
0x3ae: {  	[timem:s3], [sflag:s2] =	dma.local @!p0 [hbm:s0], s1  }
0x3af: {  	s0 =	simm.s32 @!p0 $0x1  }
0x3b0: {  	_ =	swait.ge @!p0 [sflag:s0], s1  }
0x3b1: {  	s1 =	ssub.s32 @!p0 $0x0, s1;
	[sflag:s0] =	ssyncset.done @!p0 $0x0  }
0x3b2: {  	[sflag:s0] =	ssyncadd.s32 @!p0 s1  }
0x3b3: {  	[bflag:$0x3] =	sbarrier.arrive $0xFFFF  }
0x3b4: {  	_ =	shalt  }

</sc_bundles>
